<compile_context>
chip_gen: v7x
topology: tpu7x:2x2x1
jax: 0.10.2.dev20260603
libtpu: 0.0.44.dev20260713+nightly
codegen_flags: <defaults>
</compile_context>

<pallas_src>
import functools

import jax
import jax.numpy as jnp
from jax import lax
from jax.experimental import pallas as pl
from jax.experimental.pallas import tpu as pltpu
from jax.experimental.pallas import tpu_sc as plsc

_SPLITS = (5, 15, 30)


@functools.cache
def _gather_fn(V, Hp, N):
    info = plsc.get_sparse_core_info()
    nw = info.num_cores * info.num_subcores
    rows_per_w = N // nw
    ch = 80
    nch = rows_per_w // ch
    grp = max(d for d in (4, 3, 2, 1) if nch % d == 0)
    mesh = plsc.VectorSubcoreMesh(core_axis_name="c", subcore_axis_name="s")

    @functools.partial(
        pl.kernel, mesh=mesh,
        out_type=jax.ShapeDtypeStruct((N, Hp), jnp.float32),
        scratch_types=[
            pltpu.VMEM((rows_per_w,), jnp.int32),
            pltpu.VMEM((grp, ch, Hp), jnp.float32),
            pltpu.VMEM_SHARED((V, Hp), jnp.float32),
            pltpu.SemaphoreType.DMA,
            pltpu.SemaphoreType.DMA,
        ],
    )
    def k(table_hbm, idx_hbm, out_hbm, idx_v, rows_v, tab_s, gsem, ssem):
        wid = lax.axis_index("s") * info.num_cores + lax.axis_index("c")
        base = wid * rows_per_w
        @pl.when(lax.axis_index("s") == 0)
        def _():
            pltpu.sync_copy(table_hbm, tab_s)

        pltpu.sync_copy(idx_hbm.at[pl.ds(base, rows_per_w)], idx_v)
        plsc.subcore_barrier()

        def body(g, carry):
            c0 = g * grp
            gathers = []
            for j in range(grp):
                d = pltpu.make_async_copy(
                    tab_s.at[idx_v.at[pl.ds((c0 + j) * ch, ch)]],
                    rows_v.at[j], gsem,
                )
                d.start()
                gathers.append(d)
            for d in gathers:
                d.wait()
            stores = []
            for j in range(grp):
                d = pltpu.make_async_copy(
                    rows_v.at[j], out_hbm.at[pl.ds(base + (c0 + j) * ch, ch)],
                    ssem,
                )
                d.start()
                stores.append(d)
            for d in stores:
                d.wait()
            return carry

        lax.fori_loop(0, nch // grp, body, 0)

    return k


def _proj_first(h_ref, w_ref, b_ref, out_ref):
    h = h_ref[0][:, : w_ref.shape[1]]
    out_ref[0] = lax.dot_general(
        w_ref[...], h,
        dimension_numbers=(((1,), (1,)), ((), ())),
        preferred_element_type=jnp.float32,
    ) + b_ref[...]


def _proj_next(h_ref, w_ref, b_ref, carry_ref, out_ref):
    h = h_ref[0][:, : w_ref.shape[1]]
    out_ref[0] = lax.dot_general(
        w_ref[...], h,
        dimension_numbers=(((1,), (1,)), ((), ())),
        preferred_element_type=jnp.float32,
    ) + b_ref[...]


def kernel(input_ids, emb_table, lm_head_w, lm_head_b):
    V, H = emb_table.shape
    Vo = lm_head_w.shape[0]
    B, L = input_ids.shape
    Hp = 128
    emb_p = jnp.pad(emb_table, ((0, 0), (0, Hp - H)))
    bias = lm_head_b.reshape(Vo, 1)
    ids_t = input_ids.T.reshape(-1).astype(jnp.int32)
    out_shape = jax.ShapeDtypeStruct((L, Vo, B), jnp.float32)
    offs = [sum(_SPLITS[:c]) for c in range(len(_SPLITS))]
    hidden = [
        _gather_fn(V, Hp, B * Lc)(
            emb_p, lax.dynamic_slice_in_dim(ids_t, off * B, B * Lc)
        ).reshape(Lc, B, Hp)
        for c, (off, Lc) in enumerate(zip(offs, _SPLITS))
    ]
    out_t = None
    for c, (off, Lc) in enumerate(zip(offs, _SPLITS)):
        in_specs = [
            pl.BlockSpec((1, B, Hp), lambda l: (l, 0, 0)),
            pl.BlockSpec((Vo, H), lambda l: (0, 0)),
            pl.BlockSpec((Vo, 1), lambda l: (0, 0)),
        ]
        out_spec = pl.BlockSpec(
            (1, Vo, B), functools.partial(lambda c0, l: (c0 + l, 0, 0), off)
        )
        if c == 0:
            out_t = pl.pallas_call(
                _proj_first,
                grid=(Lc,),
                in_specs=in_specs,
                out_specs=out_spec,
                out_shape=out_shape,
            )(hidden[c], lm_head_w, bias)
        else:
            out_t = pl.pallas_call(
                _proj_next,
                grid=(Lc,),
                in_specs=in_specs
                + [pl.BlockSpec(memory_space=pltpu.HBM)],
                out_specs=out_spec,
                out_shape=out_shape,
                input_output_aliases={3: 0},
            )(hidden[c], lm_head_w, bias, out_t)
    return jnp.transpose(out_t, (2, 0, 1))

# --- scband reference (transcript-rebuilt; emitter-appended) ---
"""Pipeline reference for scband-tiny-policy-10694468567807 (READ-ONLY COPY).

The authoritative reference and input builder live on the scoring server;
editing this copy changes nothing except your own understanding.
"""

import jax, jax.numpy as jnp
import numpy as np


def setup_inputs(seed: int = 0) -> dict:
    key = jax.random.key(seed)
    k1, k2, k3, k4 = jax.random.split(key, 4)
    vocab, hidden = 1000, 64
    input_ids = jax.random.randint(k1, (1024, 50), 0, vocab)
    emb_table = jax.random.normal(k2, (vocab, hidden), dtype=jnp.float32) * 0.02
    lm_head_w = jax.random.normal(k3, (vocab, hidden), dtype=jnp.float32) * 0.02
    lm_head_b = jnp.zeros((vocab,), dtype=jnp.float32)
    return {"input_ids": input_ids, "emb_table": emb_table, "lm_head_w": lm_head_w, "lm_head_b": lm_head_b}


def reference(input_ids, emb_table, lm_head_w, lm_head_b):
    # hidden = self.embedding(input_ids)
    hidden = jnp.take(emb_table, input_ids, axis=0)  # [B, L, H]
    # return self.lm_head(hidden)  -> Linear: x @ W.T + b
    logits = jnp.einsum("blh,vh->blv", hidden, lm_head_w) + lm_head_b
    return logits

if __name__ == "__main__":
    import jax
    _d = setup_inputs()
    print(jax.jit(kernel)(*tuple(_d.values())))

</pallas_src>

<mosaic_0001>
#map = affine_map<(d0, d1) -> (0, 0)>
#map1 = affine_map<(d0, d1) -> (0)>
module attributes {stable_mosaic.version = 14 : i64} {
  func.func @k(%arg0: i32, %arg1: i32, %arg2: memref<1000x128xf32, #tpu.memory_space<hbm>>, %arg3: memref<5120xi32, #tpu.memory_space<hbm>>, %arg4: memref<5120x128xf32, #tpu.memory_space<hbm>>, %arg5: memref<160xi32, #tpu.memory_space<vmem>>, %arg6: memref<2x80x128xf32, #tpu.memory_space<vmem>>, %arg7: memref<1000x128xf32, #tpu.memory_space<vmem_shared>>, %arg8: memref<!tpu.dma_semaphore, #tpu.memory_space<semaphore_mem>>, %arg9: memref<!tpu.dma_semaphore, #tpu.memory_space<semaphore_mem>>) attributes {dimension_semantics = [#tpu.dimension_semantics<core_parallel>, #tpu.dimension_semantics<subcore_parallel>], iteration_bounds = array<i64: 2, 16>, scalar_prefetch = 0 : i64, scratch_operands = 5 : i64, tpu.core_type = #tpu.core_type<sc_vector_subcore>, window_params = [{transform_indices = #map}, {transform_indices = #map1}, {transform_indices = #map}]} {
    %mul3A = arith.constant 2 : i32
    %mul3A_0 = arith.muli %arg1, %mul3A : i32
    %add3A = arith.addi %mul3A_0, %arg0 : i32
    %mul3A_1 = arith.constant 160 : i32
    %mul3A_2 = arith.muli %add3A, %mul3A_1 : i32
    %eq3A = arith.constant 0 : i32
    %eq3A_3 = arith.cmpi eq, %arg1, %eq3A : i32
    %convert_element_type3A = arith.extui %eq3A_3 : i1 to i32
    %cond3A = arith.constant 0 : i32
    %cond3A_4 = arith.cmpi ne, %convert_element_type3A, %cond3A : i32
    scf.if %cond3A_4 {
      "tpu.region"() ({
        %run_scoped3A = tpu.sem_alloc : memref<!tpu.dma_semaphore, #tpu.memory_space<semaphore_mem>>
        tpu.enqueue_dma source(%arg2 : memref<1000x128xf32, #tpu.memory_space<hbm>>) target(%arg7 : memref<1000x128xf32, #tpu.memory_space<vmem_shared>>) target_semaphore(%run_scoped3A : memref<!tpu.dma_semaphore, #tpu.memory_space<semaphore_mem>>)
        tpu.wait_dma2 semaphore(%run_scoped3A : memref<!tpu.dma_semaphore, #tpu.memory_space<semaphore_mem>>) src(%arg2 : memref<1000x128xf32, #tpu.memory_space<hbm>>) dst(%arg7 : memref<1000x128xf32, #tpu.memory_space<vmem_shared>>)
        tpu.yield
      }) : () -> ()
    } else {
    }
    "tpu.region"() ({
      %run_scoped3A = tpu.sem_alloc : memref<!tpu.dma_semaphore, #tpu.memory_space<semaphore_mem>>
      %dma_start3A_113 = tpu.memref_slice %arg3[%mul3A_2] : memref<5120xi32, #tpu.memory_space<hbm>> -> memref<160xi32, #tpu.memory_space<hbm>>
      %dma_start3A_114 = tpu.memref_slice %arg3[%mul3A_2] : memref<5120xi32, #tpu.memory_space<hbm>> -> memref<160xi32, #tpu.memory_space<hbm>>
      tpu.enqueue_dma source(%dma_start3A_114 : memref<160xi32, #tpu.memory_space<hbm>>) target(%arg5 : memref<160xi32, #tpu.memory_space<vmem>>) target_semaphore(%run_scoped3A : memref<!tpu.dma_semaphore, #tpu.memory_space<semaphore_mem>>)
      %dma_wait3A_115 = tpu.memref_slice %arg3[%mul3A_2] : memref<5120xi32, #tpu.memory_space<hbm>> -> memref<160xi32, #tpu.memory_space<hbm>>
      %dma_wait3A_116 = tpu.memref_slice %arg3[%mul3A_2] : memref<5120xi32, #tpu.memory_space<hbm>> -> memref<160xi32, #tpu.memory_space<hbm>>
      tpu.wait_dma2 semaphore(%run_scoped3A : memref<!tpu.dma_semaphore, #tpu.memory_space<semaphore_mem>>) src(%dma_wait3A_116 : memref<160xi32, #tpu.memory_space<hbm>>) dst(%arg5 : memref<160xi32, #tpu.memory_space<vmem>>)
      tpu.yield
    }) : () -> ()
    %barrier3A = arith.constant 0 : index
    tpu.barrier barrier_id(%barrier3A)
    %scan3A = arith.constant 0 : i32
    %scan3A_5 = arith.constant 0 : i32
    %mul3A_6 = arith.constant 2 : i32
    %mul3A_7 = arith.muli %scan3A_5, %mul3A_6 : i32
    %add3A_8 = arith.constant 0 : i32
    %add3A_9 = arith.addi %mul3A_7, %add3A_8 : i32
    %mul3A_10 = arith.constant 80 : i32
    %mul3A_11 = arith.muli %add3A_9, %mul3A_10 : i32
    %dma_start3A = arith.constant 0 : i32
    %dma_start3A_12 = arith.constant 0 : i32
    %dma_start3A_13 = arith.constant 0 : i32
    %dma_start3A_14 = tpu.memref_slice %arg6[%dma_start3A, %dma_start3A_12, %dma_start3A_13] : memref<2x80x128xf32, #tpu.memory_space<vmem>> -> memref<1x80x128xf32, #tpu.memory_space<vmem>>
    %dma_start3A_15 = tpu.memref_squeeze %dma_start3A_14 : memref<1x80x128xf32, #tpu.memory_space<vmem>> -> memref<80x128xf32, #tpu.memory_space<vmem>>
    %dma_start3A_16 = tpu.memref_slice %arg5[%mul3A_11] : memref<160xi32, #tpu.memory_space<vmem>> -> memref<80xi32, #tpu.memory_space<vmem>>
    %dma_start3A_17 = arith.constant 0 : i32
    %dma_start3A_18 = arith.constant 0 : i32
    %dma_start3A_19 = tpu.memref_slice %arg7[%dma_start3A_17, %dma_start3A_18] : memref<1000x128xf32, #tpu.memory_space<vmem_shared>> -> memref<1000x128xf32, #tpu.memory_space<vmem_shared>>
    tpu.enqueue_indirect_dma source(%dma_start3A_19 : memref<1000x128xf32, #tpu.memory_space<vmem_shared>>) target(%dma_start3A_15 : memref<80x128xf32, #tpu.memory_space<vmem>>) offsets(%dma_start3A_16 : memref<80xi32, #tpu.memory_space<vmem>>) semaphore(%arg8 : memref<!tpu.dma_semaphore, #tpu.memory_space<semaphore_mem>>)
    %add3A_20 = arith.constant 1 : i32
    %add3A_21 = arith.addi %mul3A_7, %add3A_20 : i32
    %mul3A_22 = arith.constant 80 : i32
    %mul3A_23 = arith.muli %add3A_21, %mul3A_22 : i32
    %dma_start3A_24 = arith.constant 1 : i32
    %dma_start3A_25 = arith.constant 0 : i32
    %dma_start3A_26 = arith.constant 0 : i32
    %dma_start3A_27 = tpu.memref_slice %arg6[%dma_start3A_24, %dma_start3A_25, %dma_start3A_26] : memref<2x80x128xf32, #tpu.memory_space<vmem>> -> memref<1x80x128xf32, #tpu.memory_space<vmem>>
    %dma_start3A_28 = tpu.memref_squeeze %dma_start3A_27 : memref<1x80x128xf32, #tpu.memory_space<vmem>> -> memref<80x128xf32, #tpu.memory_space<vmem>>
    %dma_start3A_29 = tpu.memref_slice %arg5[%mul3A_23] : memref<160xi32, #tpu.memory_space<vmem>> -> memref<80xi32, #tpu.memory_space<vmem>>
    %dma_start3A_30 = arith.constant 0 : i32
    %dma_start3A_31 = arith.constant 0 : i32
    %dma_start3A_32 = tpu.memref_slice %arg7[%dma_start3A_30, %dma_start3A_31] : memref<1000x128xf32, #tpu.memory_space<vmem_shared>> -> memref<1000x128xf32, #tpu.memory_space<vmem_shared>>
    tpu.enqueue_indirect_dma source(%dma_start3A_32 : memref<1000x128xf32, #tpu.memory_space<vmem_shared>>) target(%dma_start3A_28 : memref<80x128xf32, #tpu.memory_space<vmem>>) offsets(%dma_start3A_29 : memref<80xi32, #tpu.memory_space<vmem>>) semaphore(%arg8 : memref<!tpu.dma_semaphore, #tpu.memory_space<semaphore_mem>>)
    %dma_wait3A = arith.constant 0 : i32
    %dma_wait3A_33 = arith.constant 0 : i32
    %dma_wait3A_34 = arith.constant 0 : i32
    %dma_wait3A_35 = tpu.memref_slice %arg6[%dma_wait3A, %dma_wait3A_33, %dma_wait3A_34] : memref<2x80x128xf32, #tpu.memory_space<vmem>> -> memref<1x80x128xf32, #tpu.memory_space<vmem>>
    %dma_wait3A_36 = tpu.memref_squeeze %dma_wait3A_35 : memref<1x80x128xf32, #tpu.memory_space<vmem>> -> memref<80x128xf32, #tpu.memory_space<vmem>>
    %dma_wait3A_37 = tpu.memref_slice %arg5[%mul3A_11] : memref<160xi32, #tpu.memory_space<vmem>> -> memref<80xi32, #tpu.memory_space<vmem>>
    %dma_wait3A_38 = arith.constant 0 : i32
    %dma_wait3A_39 = arith.constant 0 : i32
    %dma_wait3A_40 = tpu.memref_slice %arg7[%dma_wait3A_38, %dma_wait3A_39] : memref<1000x128xf32, #tpu.memory_space<vmem_shared>> -> memref<1000x128xf32, #tpu.memory_space<vmem_shared>>
    tpu.wait_indirect_dma semaphore(%arg8 : memref<!tpu.dma_semaphore, #tpu.memory_space<semaphore_mem>>) src(%dma_wait3A_40 : memref<1000x128xf32, #tpu.memory_space<vmem_shared>>) dst(%dma_wait3A_36 : memref<80x128xf32, #tpu.memory_space<vmem>>)
    %dma_wait3A_41 = arith.constant 1 : i32
    %dma_wait3A_42 = arith.constant 0 : i32
    %dma_wait3A_43 = arith.constant 0 : i32
    %dma_wait3A_44 = tpu.memref_slice %arg6[%dma_wait3A_41, %dma_wait3A_42, %dma_wait3A_43] : memref<2x80x128xf32, #tpu.memory_space<vmem>> -> memref<1x80x128xf32, #tpu.memory_space<vmem>>
    %dma_wait3A_45 = tpu.memref_squeeze %dma_wait3A_44 : memref<1x80x128xf32, #tpu.memory_space<vmem>> -> memref<80x128xf32, #tpu.memory_space<vmem>>
    %dma_wait3A_46 = tpu.memref_slice %arg5[%mul3A_23] : memref<160xi32, #tpu.memory_space<vmem>> -> memref<80xi32, #tpu.memory_space<vmem>>
    %dma_wait3A_47 = arith.constant 0 : i32
    %dma_wait3A_48 = arith.constant 0 : i32
    %dma_wait3A_49 = tpu.memref_slice %arg7[%dma_wait3A_47, %dma_wait3A_48] : memref<1000x128xf32, #tpu.memory_space<vmem_shared>> -> memref<1000x128xf32, #tpu.memory_space<vmem_shared>>
    tpu.wait_indirect_dma semaphore(%arg8 : memref<!tpu.dma_semaphore, #tpu.memory_space<semaphore_mem>>) src(%dma_wait3A_49 : memref<1000x128xf32, #tpu.memory_space<vmem_shared>>) dst(%dma_wait3A_45 : memref<80x128xf32, #tpu.memory_space<vmem>>)
    %add3A_50 = arith.constant 0 : i32
    %add3A_51 = arith.addi %mul3A_7, %add3A_50 : i32
    %mul3A_52 = arith.constant 80 : i32
    %mul3A_53 = arith.muli %add3A_51, %mul3A_52 : i32
    %add3A_54 = arith.addi %mul3A_2, %mul3A_53 : i32
    %dma_start3A_55 = arith.constant 0 : i32
    %dma_start3A_56 = arith.constant 0 : i32
    %dma_start3A_57 = arith.constant 0 : i32
    %dma_start3A_58 = tpu.memref_slice %arg6[%dma_start3A_55, %dma_start3A_56, %dma_start3A_57] : memref<2x80x128xf32, #tpu.memory_space<vmem>> -> memref<1x80x128xf32, #tpu.memory_space<vmem>>
    %dma_start3A_59 = tpu.memref_squeeze %dma_start3A_58 : memref<1x80x128xf32, #tpu.memory_space<vmem>> -> memref<80x128xf32, #tpu.memory_space<vmem>>
    %dma_start3A_60 = arith.constant 0 : i32
    %dma_start3A_61 = tpu.memref_slice %arg4[%add3A_54, %dma_start3A_60] : memref<5120x128xf32, #tpu.memory_space<hbm>> -> memref<80x128xf32, #tpu.memory_space<hbm>>
    %dma_start3A_62 = arith.constant 0 : i32
    %dma_start3A_63 = tpu.memref_slice %arg4[%add3A_54, %dma_start3A_62] : memref<5120x128xf32, #tpu.memory_space<hbm>> -> memref<80x128xf32, #tpu.memory_space<hbm>>
    %dma_start3A_64 = arith.constant 0 : i32
    %dma_start3A_65 = arith.constant 0 : i32
    %dma_start3A_66 = tpu.memref_slice %arg6[%dma_start3A_55, %dma_start3A_64, %dma_start3A_65] : memref<2x80x128xf32, #tpu.memory_space<vmem>> -> memref<1x80x128xf32, #tpu.memory_space<vmem>>
    %dma_start3A_67 = tpu.memref_squeeze %dma_start3A_66 : memref<1x80x128xf32, #tpu.memory_space<vmem>> -> memref<80x128xf32, #tpu.memory_space<vmem>>
    tpu.enqueue_dma source(%dma_start3A_67 : memref<80x128xf32, #tpu.memory_space<vmem>>) target(%dma_start3A_63 : memref<80x128xf32, #tpu.memory_space<hbm>>) target_semaphore(%arg9 : memref<!tpu.dma_semaphore, #tpu.memory_space<semaphore_mem>>)
    %add3A_68 = arith.constant 1 : i32
    %add3A_69 = arith.addi %mul3A_7, %add3A_68 : i32
    %mul3A_70 = arith.constant 80 : i32
    %mul3A_71 = arith.muli %add3A_69, %mul3A_70 : i32
    %add3A_72 = arith.addi %mul3A_2, %mul3A_71 : i32
    %dma_start3A_73 = arith.constant 1 : i32
    %dma_start3A_74 = arith.constant 0 : i32
    %dma_start3A_75 = arith.constant 0 : i32
    %dma_start3A_76 = tpu.memref_slice %arg6[%dma_start3A_73, %dma_start3A_74, %dma_start3A_75] : memref<2x80x128xf32, #tpu.memory_space<vmem>> -> memref<1x80x128xf32, #tpu.memory_space<vmem>>
    %dma_start3A_77 = tpu.memref_squeeze %dma_start3A_76 : memref<1x80x128xf32, #tpu.memory_space<vmem>> -> memref<80x128xf32, #tpu.memory_space<vmem>>
    %dma_start3A_78 = arith.constant 0 : i32
    %dma_start3A_79 = tpu.memref_slice %arg4[%add3A_72, %dma_start3A_78] : memref<5120x128xf32, #tpu.memory_space<hbm>> -> memref<80x128xf32, #tpu.memory_space<hbm>>
    %dma_start3A_80 = arith.constant 0 : i32
    %dma_start3A_81 = tpu.memref_slice %arg4[%add3A_72, %dma_start3A_80] : memref<5120x128xf32, #tpu.memory_space<hbm>> -> memref<80x128xf32, #tpu.memory_space<hbm>>
    %dma_start3A_82 = arith.constant 0 : i32
    %dma_start3A_83 = arith.constant 0 : i32
    %dma_start3A_84 = tpu.memref_slice %arg6[%dma_start3A_73, %dma_start3A_82, %dma_start3A_83] : memref<2x80x128xf32, #tpu.memory_space<vmem>> -> memref<1x80x128xf32, #tpu.memory_space<vmem>>
    %dma_start3A_85 = tpu.memref_squeeze %dma_start3A_84 : memref<1x80x128xf32, #tpu.memory_space<vmem>> -> memref<80x128xf32, #tpu.memory_space<vmem>>
    tpu.enqueue_dma source(%dma_start3A_85 : memref<80x128xf32, #tpu.memory_space<vmem>>) target(%dma_start3A_81 : memref<80x128xf32, #tpu.memory_space<hbm>>) target_semaphore(%arg9 : memref<!tpu.dma_semaphore, #tpu.memory_space<semaphore_mem>>)
    %dma_wait3A_86 = arith.constant 0 : i32
    %dma_wait3A_87 = arith.constant 0 : i32
    %dma_wait3A_88 = arith.constant 0 : i32
    %dma_wait3A_89 = tpu.memref_slice %arg6[%dma_wait3A_86, %dma_wait3A_87, %dma_wait3A_88] : memref<2x80x128xf32, #tpu.memory_space<vmem>> -> memref<1x80x128xf32, #tpu.memory_space<vmem>>
    %dma_wait3A_90 = tpu.memref_squeeze %dma_wait3A_89 : memref<1x80x128xf32, #tpu.memory_space<vmem>> -> memref<80x128xf32, #tpu.memory_space<vmem>>
    %dma_wait3A_91 = arith.constant 0 : i32
    %dma_wait3A_92 = tpu.memref_slice %arg4[%add3A_54, %dma_wait3A_91] : memref<5120x128xf32, #tpu.memory_space<hbm>> -> memref<80x128xf32, #tpu.memory_space<hbm>>
    %dma_wait3A_93 = arith.constant 0 : i32
    %dma_wait3A_94 = tpu.memref_slice %arg4[%add3A_54, %dma_wait3A_93] : memref<5120x128xf32, #tpu.memory_space<hbm>> -> memref<80x128xf32, #tpu.memory_space<hbm>>
    %dma_wait3A_95 = arith.constant 0 : i32
    %dma_wait3A_96 = arith.constant 0 : i32
    %dma_wait3A_97 = tpu.memref_slice %arg6[%dma_wait3A_86, %dma_wait3A_95, %dma_wait3A_96] : memref<2x80x128xf32, #tpu.memory_space<vmem>> -> memref<1x80x128xf32, #tpu.memory_space<vmem>>
    %dma_wait3A_98 = tpu.memref_squeeze %dma_wait3A_97 : memref<1x80x128xf32, #tpu.memory_space<vmem>> -> memref<80x128xf32, #tpu.memory_space<vmem>>
    tpu.wait_dma2 semaphore(%arg9 : memref<!tpu.dma_semaphore, #tpu.memory_space<semaphore_mem>>) src(%dma_wait3A_98 : memref<80x128xf32, #tpu.memory_space<vmem>>) dst(%dma_wait3A_94 : memref<80x128xf32, #tpu.memory_space<hbm>>)
    %dma_wait3A_99 = arith.constant 1 : i32
    %dma_wait3A_100 = arith.constant 0 : i32
    %dma_wait3A_101 = arith.constant 0 : i32
    %dma_wait3A_102 = tpu.memref_slice %arg6[%dma_wait3A_99, %dma_wait3A_100, %dma_wait3A_101] : memref<2x80x128xf32, #tpu.memory_space<vmem>> -> memref<1x80x128xf32, #tpu.memory_space<vmem>>
    %dma_wait3A_103 = tpu.memref_squeeze %dma_wait3A_102 : memref<1x80x128xf32, #tpu.memory_space<vmem>> -> memref<80x128xf32, #tpu.memory_space<vmem>>
    %dma_wait3A_104 = arith.constant 0 : i32
    %dma_wait3A_105 = tpu.memref_slice %arg4[%add3A_72, %dma_wait3A_104] : memref<5120x128xf32, #tpu.memory_space<hbm>> -> memref<80x128xf32, #tpu.memory_space<hbm>>
    %dma_wait3A_106 = arith.constant 0 : i32
    %dma_wait3A_107 = tpu.memref_slice %arg4[%add3A_72, %dma_wait3A_106] : memref<5120x128xf32, #tpu.memory_space<hbm>> -> memref<80x128xf32, #tpu.memory_space<hbm>>
    %dma_wait3A_108 = arith.constant 0 : i32
    %dma_wait3A_109 = arith.constant 0 : i32
    %dma_wait3A_110 = tpu.memref_slice %arg6[%dma_wait3A_99, %dma_wait3A_108, %dma_wait3A_109] : memref<2x80x128xf32, #tpu.memory_space<vmem>> -> memref<1x80x128xf32, #tpu.memory_space<vmem>>
    %dma_wait3A_111 = tpu.memref_squeeze %dma_wait3A_110 : memref<1x80x128xf32, #tpu.memory_space<vmem>> -> memref<80x128xf32, #tpu.memory_space<vmem>>
    tpu.wait_dma2 semaphore(%arg9 : memref<!tpu.dma_semaphore, #tpu.memory_space<semaphore_mem>>) src(%dma_wait3A_111 : memref<80x128xf32, #tpu.memory_space<vmem>>) dst(%dma_wait3A_107 : memref<80x128xf32, #tpu.memory_space<hbm>>)
    %scan3A_112 = arith.constant 1 : i32
    return
  }
}

#map = affine_map<(d0, d1) -> (0, 0)>
#map1 = affine_map<(d0, d1) -> (0)>
module attributes {stable_mosaic.version = 14 : i64} {
  func.func @k(%arg0: i32, %arg1: i32, %arg2: memref<1000x128xf32, #tpu.memory_space<hbm>>, %arg3: memref<15360xi32, #tpu.memory_space<hbm>>, %arg4: memref<15360x128xf32, #tpu.memory_space<hbm>>, %arg5: memref<480xi32, #tpu.memory_space<vmem>>, %arg6: memref<3x80x128xf32, #tpu.memory_space<vmem>>, %arg7: memref<1000x128xf32, #tpu.memory_space<vmem_shared>>, %arg8: memref<!tpu.dma_semaphore, #tpu.memory_space<semaphore_mem>>, %arg9: memref<!tpu.dma_semaphore, #tpu.memory_space<semaphore_mem>>) attributes {dimension_semantics = [#tpu.dimension_semantics<core_parallel>, #tpu.dimension_semantics<subcore_parallel>], iteration_bounds = array<i64: 2, 16>, scalar_prefetch = 0 : i64, scratch_operands = 5 : i64, tpu.core_type = #tpu.core_type<sc_vector_subcore>, window_params = [{transform_indices = #map}, {transform_indices = #map1}, {transform_indices = #map}]} {
    %mul3A = arith.constant 2 : i32
    %mul3A_0 = arith.muli %arg1, %mul3A : i32
    %add3A = arith.addi %mul3A_0, %arg0 : i32
    %mul3A_1 = arith.constant 480 : i32
    %mul3A_2 = arith.muli %add3A, %mul3A_1 : i32
    %eq3A = arith.constant 0 : i32
    %eq3A_3 = arith.cmpi eq, %arg1, %eq3A : i32
    %convert_element_type3A = arith.extui %eq3A_3 : i1 to i32
    %cond3A = arith.constant 0 : i32
    %cond3A_4 = arith.cmpi ne, %convert_element_type3A, %cond3A : i32
    scf.if %cond3A_4 {
      "tpu.region"() ({
        %run_scoped3A = tpu.sem_alloc : memref<!tpu.dma_semaphore, #tpu.memory_space<semaphore_mem>>
        tpu.enqueue_dma source(%arg2 : memref<1000x128xf32, #tpu.memory_space<hbm>>) target(%arg7 : memref<1000x128xf32, #tpu.memory_space<vmem_shared>>) target_semaphore(%run_scoped3A : memref<!tpu.dma_semaphore, #tpu.memory_space<semaphore_mem>>)
        tpu.wait_dma2 semaphore(%run_scoped3A : memref<!tpu.dma_semaphore, #tpu.memory_space<semaphore_mem>>) src(%arg2 : memref<1000x128xf32, #tpu.memory_space<hbm>>) dst(%arg7 : memref<1000x128xf32, #tpu.memory_space<vmem_shared>>)
        tpu.yield
      }) : () -> ()
    } else {
    }
    "tpu.region"() ({
      %run_scoped3A = tpu.sem_alloc : memref<!tpu.dma_semaphore, #tpu.memory_space<semaphore_mem>>
      %dma_start3A = tpu.memref_slice %arg3[%mul3A_2] : memref<15360xi32, #tpu.memory_space<hbm>> -> memref<480xi32, #tpu.memory_space<hbm>>
      %dma_start3A_10 = tpu.memref_slice %arg3[%mul3A_2] : memref<15360xi32, #tpu.memory_space<hbm>> -> memref<480xi32, #tpu.memory_space<hbm>>
      tpu.enqueue_dma source(%dma_start3A_10 : memref<480xi32, #tpu.memory_space<hbm>>) target(%arg5 : memref<480xi32, #tpu.memory_space<vmem>>) target_semaphore(%run_scoped3A : memref<!tpu.dma_semaphore, #tpu.memory_space<semaphore_mem>>)
      %dma_wait3A = tpu.memref_slice %arg3[%mul3A_2] : memref<15360xi32, #tpu.memory_space<hbm>> -> memref<480xi32, #tpu.memory_space<hbm>>
      %dma_wait3A_11 = tpu.memref_slice %arg3[%mul3A_2] : memref<15360xi32, #tpu.memory_space<hbm>> -> memref<480xi32, #tpu.memory_space<hbm>>
      tpu.wait_dma2 semaphore(%run_scoped3A : memref<!tpu.dma_semaphore, #tpu.memory_space<semaphore_mem>>) src(%dma_wait3A_11 : memref<480xi32, #tpu.memory_space<hbm>>) dst(%arg5 : memref<480xi32, #tpu.memory_space<vmem>>)
      tpu.yield
    }) : () -> ()
    %barrier3A = arith.constant 0 : index
    tpu.barrier barrier_id(%barrier3A)
    %scan3A = arith.constant 0 : i32
    %scan3A_5 = arith.constant 0 : i32
    %scan3A_6 = arith.constant 2 : i32
    %scan3A_7 = arith.addi %scan3A_5, %scan3A_6 : i32
    %scan3A_8 = arith.constant 1 : i32
    scf.for %scan3A_10 = %scan3A_5 to %scan3A_7 step %scan3A_8  : i32 {
      %mul3A_11 = arith.constant 3 : i32
      %mul3A_12 = arith.muli %scan3A_10, %mul3A_11 : i32
      %add3A_13 = arith.constant 0 : i32
      %add3A_14 = arith.addi %mul3A_12, %add3A_13 : i32
      %mul3A_15 = arith.constant 80 : i32
      %mul3A_16 = arith.muli %add3A_14, %mul3A_15 : i32
      %dma_start3A = arith.constant 0 : i32
      %dma_start3A_17 = arith.constant 0 : i32
      %dma_start3A_18 = arith.constant 0 : i32
      %dma_start3A_19 = tpu.memref_slice %arg6[%dma_start3A, %dma_start3A_17, %dma_start3A_18] : memref<3x80x128xf32, #tpu.memory_space<vmem>> -> memref<1x80x128xf32, #tpu.memory_space<vmem>>
      %dma_start3A_20 = tpu.memref_squeeze %dma_start3A_19 : memref<1x80x128xf32, #tpu.memory_space<vmem>> -> memref<80x128xf32, #tpu.memory_space<vmem>>
      %dma_start3A_21 = tpu.memref_slice %arg5[%mul3A_16] : memref<480xi32, #tpu.memory_space<vmem>> -> memref<80xi32, #tpu.memory_space<vmem>>
      %dma_start3A_22 = arith.constant 0 : i32
      %dma_start3A_23 = arith.constant 0 : i32
      %dma_start3A_24 = tpu.memref_slice %arg7[%dma_start3A_22, %dma_start3A_23] : memref<1000x128xf32, #tpu.memory_space<vmem_shared>> -> memref<1000x128xf32, #tpu.memory_space<vmem_shared>>
      tpu.enqueue_indirect_dma source(%dma_start3A_24 : memref<1000x128xf32, #tpu.memory_space<vmem_shared>>) target(%dma_start3A_20 : memref<80x128xf32, #tpu.memory_space<vmem>>) offsets(%dma_start3A_21 : memref<80xi32, #tpu.memory_space<vmem>>) semaphore(%arg8 : memref<!tpu.dma_semaphore, #tpu.memory_space<semaphore_mem>>)
      %add3A_25 = arith.constant 1 : i32
      %add3A_26 = arith.addi %mul3A_12, %add3A_25 : i32
      %mul3A_27 = arith.constant 80 : i32
      %mul3A_28 = arith.muli %add3A_26, %mul3A_27 : i32
      %dma_start3A_29 = arith.constant 1 : i32
      %dma_start3A_30 = arith.constant 0 : i32
      %dma_start3A_31 = arith.constant 0 : i32
      %dma_start3A_32 = tpu.memref_slice %arg6[%dma_start3A_29, %dma_start3A_30, %dma_start3A_31] : memref<3x80x128xf32, #tpu.memory_space<vmem>> -> memref<1x80x128xf32, #tpu.memory_space<vmem>>
      %dma_start3A_33 = tpu.memref_squeeze %dma_start3A_32 : memref<1x80x128xf32, #tpu.memory_space<vmem>> -> memref<80x128xf32, #tpu.memory_space<vmem>>
      %dma_start3A_34 = tpu.memref_slice %arg5[%mul3A_28] : memref<480xi32, #tpu.memory_space<vmem>> -> memref<80xi32, #tpu.memory_space<vmem>>
      %dma_start3A_35 = arith.constant 0 : i32
      %dma_start3A_36 = arith.constant 0 : i32
      %dma_start3A_37 = tpu.memref_slice %arg7[%dma_start3A_35, %dma_start3A_36] : memref<1000x128xf32, #tpu.memory_space<vmem_shared>> -> memref<1000x128xf32, #tpu.memory_space<vmem_shared>>
      tpu.enqueue_indirect_dma source(%dma_start3A_37 : memref<1000x128xf32, #tpu.memory_space<vmem_shared>>) target(%dma_start3A_33 : memref<80x128xf32, #tpu.memory_space<vmem>>) offsets(%dma_start3A_34 : memref<80xi32, #tpu.memory_space<vmem>>) semaphore(%arg8 : memref<!tpu.dma_semaphore, #tpu.memory_space<semaphore_mem>>)
      %add3A_38 = arith.constant 2 : i32
      %add3A_39 = arith.addi %mul3A_12, %add3A_38 : i32
      %mul3A_40 = arith.constant 80 : i32
      %mul3A_41 = arith.muli %add3A_39, %mul3A_40 : i32
      %dma_start3A_42 = arith.constant 2 : i32
      %dma_start3A_43 = arith.constant 0 : i32
      %dma_start3A_44 = arith.constant 0 : i32
      %dma_start3A_45 = tpu.memref_slice %arg6[%dma_start3A_42, %dma_start3A_43, %dma_start3A_44] : memref<3x80x128xf32, #tpu.memory_space<vmem>> -> memref<1x80x128xf32, #tpu.memory_space<vmem>>
      %dma_start3A_46 = tpu.memref_squeeze %dma_start3A_45 : memref<1x80x128xf32, #tpu.memory_space<vmem>> -> memref<80x128xf32, #tpu.memory_space<vmem>>
      %dma_start3A_47 = tpu.memref_slice %arg5[%mul3A_41] : memref<480xi32, #tpu.memory_space<vmem>> -> memref<80xi32, #tpu.memory_space<vmem>>
      %dma_start3A_48 = arith.constant 0 : i32
      %dma_start3A_49 = arith.constant 0 : i32
      %dma_start3A_50 = tpu.memref_slice %arg7[%dma_start3A_48, %dma_start3A_49] : memref<1000x128xf32, #tpu.memory_space<vmem_shared>> -> memref<1000x128xf32, #tpu.memory_space<vmem_shared>>
      tpu.enqueue_indirect_dma source(%dma_start3A_50 : memref<1000x128xf32, #tpu.memory_space<vmem_shared>>) target(%dma_start3A_46 : memref<80x128xf32, #tpu.memory_space<vmem>>) offsets(%dma_start3A_47 : memref<80xi32, #tpu.memory_space<vmem>>) semaphore(%arg8 : memref<!tpu.dma_semaphore, #tpu.memory_space<semaphore_mem>>)
      %dma_wait3A = arith.constant 0 : i32
      %dma_wait3A_51 = arith.constant 0 : i32
      %dma_wait3A_52 = arith.constant 0 : i32
      %dma_wait3A_53 = tpu.memref_slice %arg6[%dma_wait3A, %dma_wait3A_51, %dma_wait3A_52] : memref<3x80x128xf32, #tpu.memory_space<vmem>> -> memref<1x80x128xf32, #tpu.memory_space<vmem>>
      %dma_wait3A_54 = tpu.memref_squeeze %dma_wait3A_53 : memref<1x80x128xf32, #tpu.memory_space<vmem>> -> memref<80x128xf32, #tpu.memory_space<vmem>>
      %dma_wait3A_55 = tpu.memref_slice %arg5[%mul3A_16] : memref<480xi32, #tpu.memory_space<vmem>> -> memref<80xi32, #tpu.memory_space<vmem>>
      %dma_wait3A_56 = arith.constant 0 : i32
      %dma_wait3A_57 = arith.constant 0 : i32
      %dma_wait3A_58 = tpu.memref_slice %arg7[%dma_wait3A_56, %dma_wait3A_57] : memref<1000x128xf32, #tpu.memory_space<vmem_shared>> -> memref<1000x128xf32, #tpu.memory_space<vmem_shared>>
      tpu.wait_indirect_dma semaphore(%arg8 : memref<!tpu.dma_semaphore, #tpu.memory_space<semaphore_mem>>) src(%dma_wait3A_58 : memref<1000x128xf32, #tpu.memory_space<vmem_shared>>) dst(%dma_wait3A_54 : memref<80x128xf32, #tpu.memory_space<vmem>>)
      %dma_wait3A_59 = arith.constant 1 : i32
      %dma_wait3A_60 = arith.constant 0 : i32
      %dma_wait3A_61 = arith.constant 0 : i32
      %dma_wait3A_62 = tpu.memref_slice %arg6[%dma_wait3A_59, %dma_wait3A_60, %dma_wait3A_61] : memref<3x80x128xf32, #tpu.memory_space<vmem>> -> memref<1x80x128xf32, #tpu.memory_space<vmem>>
      %dma_wait3A_63 = tpu.memref_squeeze %dma_wait3A_62 : memref<1x80x128xf32, #tpu.memory_space<vmem>> -> memref<80x128xf32, #tpu.memory_space<vmem>>
      %dma_wait3A_64 = tpu.memref_slice %arg5[%mul3A_28] : memref<480xi32, #tpu.memory_space<vmem>> -> memref<80xi32, #tpu.memory_space<vmem>>
      %dma_wait3A_65 = arith.constant 0 : i32
      %dma_wait3A_66 = arith.constant 0 : i32
      %dma_wait3A_67 = tpu.memref_slice %arg7[%dma_wait3A_65, %dma_wait3A_66] : memref<1000x128xf32, #tpu.memory_space<vmem_shared>> -> memref<1000x128xf32, #tpu.memory_space<vmem_shared>>
      tpu.wait_indirect_dma semaphore(%arg8 : memref<!tpu.dma_semaphore, #tpu.memory_space<semaphore_mem>>) src(%dma_wait3A_67 : memref<1000x128xf32, #tpu.memory_space<vmem_shared>>) dst(%dma_wait3A_63 : memref<80x128xf32, #tpu.memory_space<vmem>>)
      %dma_wait3A_68 = arith.constant 2 : i32
      %dma_wait3A_69 = arith.constant 0 : i32
      %dma_wait3A_70 = arith.constant 0 : i32
      %dma_wait3A_71 = tpu.memref_slice %arg6[%dma_wait3A_68, %dma_wait3A_69, %dma_wait3A_70] : memref<3x80x128xf32, #tpu.memory_space<vmem>> -> memref<1x80x128xf32, #tpu.memory_space<vmem>>
      %dma_wait3A_72 = tpu.memref_squeeze %dma_wait3A_71 : memref<1x80x128xf32, #tpu.memory_space<vmem>> -> memref<80x128xf32, #tpu.memory_space<vmem>>
      %dma_wait3A_73 = tpu.memref_slice %arg5[%mul3A_41] : memref<480xi32, #tpu.memory_space<vmem>> -> memref<80xi32, #tpu.memory_space<vmem>>
      %dma_wait3A_74 = arith.constant 0 : i32
      %dma_wait3A_75 = arith.constant 0 : i32
      %dma_wait3A_76 = tpu.memref_slice %arg7[%dma_wait3A_74, %dma_wait3A_75] : memref<1000x128xf32, #tpu.memory_space<vmem_shared>> -> memref<1000x128xf32, #tpu.memory_space<vmem_shared>>
      tpu.wait_indirect_dma semaphore(%arg8 : memref<!tpu.dma_semaphore, #tpu.memory_space<semaphore_mem>>) src(%dma_wait3A_76 : memref<1000x128xf32, #tpu.memory_space<vmem_shared>>) dst(%dma_wait3A_72 : memref<80x128xf32, #tpu.memory_space<vmem>>)
      %add3A_77 = arith.constant 0 : i32
      %add3A_78 = arith.addi %mul3A_12, %add3A_77 : i32
      %mul3A_79 = arith.constant 80 : i32
      %mul3A_80 = arith.muli %add3A_78, %mul3A_79 : i32
      %add3A_81 = arith.addi %mul3A_2, %mul3A_80 : i32
      %dma_start3A_82 = arith.constant 0 : i32
      %dma_start3A_83 = arith.constant 0 : i32
      %dma_start3A_84 = arith.constant 0 : i32
      %dma_start3A_85 = tpu.memref_slice %arg6[%dma_start3A_82, %dma_start3A_83, %dma_start3A_84] : memref<3x80x128xf32, #tpu.memory_space<vmem>> -> memref<1x80x128xf32, #tpu.memory_space<vmem>>
      %dma_start3A_86 = tpu.memref_squeeze %dma_start3A_85 : memref<1x80x128xf32, #tpu.memory_space<vmem>> -> memref<80x128xf32, #tpu.memory_space<vmem>>
      %dma_start3A_87 = arith.constant 0 : i32
      %dma_start3A_88 = tpu.memref_slice %arg4[%add3A_81, %dma_start3A_87] : memref<15360x128xf32, #tpu.memory_space<hbm>> -> memref<80x128xf32, #tpu.memory_space<hbm>>
      %dma_start3A_89 = arith.constant 0 : i32
      %dma_start3A_90 = tpu.memref_slice %arg4[%add3A_81, %dma_start3A_89] : memref<15360x128xf32, #tpu.memory_space<hbm>> -> memref<80x128xf32, #tpu.memory_space<hbm>>
      %dma_start3A_91 = arith.constant 0 : i32
      %dma_start3A_92 = arith.constant 0 : i32
      %dma_start3A_93 = tpu.memref_slice %arg6[%dma_start3A_82, %dma_start3A_91, %dma_start3A_92] : memref<3x80x128xf32, #tpu.memory_space<vmem>> -> memref<1x80x128xf32, #tpu.memory_space<vmem>>
      %dma_start3A_94 = tpu.memref_squeeze %dma_start3A_93 : memref<1x80x128xf32, #tpu.memory_space<vmem>> -> memref<80x128xf32, #tpu.memory_space<vmem>>
      tpu.enqueue_dma source(%dma_start3A_94 : memref<80x128xf32, #tpu.memory_space<vmem>>) target(%dma_start3A_90 : memref<80x128xf32, #tpu.memory_space<hbm>>) target_semaphore(%arg9 : memref<!tpu.dma_semaphore, #tpu.memory_space<semaphore_mem>>)
      %add3A_95 = arith.constant 1 : i32
      %add3A_96 = arith.addi %mul3A_12, %add3A_95 : i32
      %mul3A_97 = arith.constant 80 : i32
      %mul3A_98 = arith.muli %add3A_96, %mul3A_97 : i32
      %add3A_99 = arith.addi %mul3A_2, %mul3A_98 : i32
      %dma_start3A_100 = arith.constant 1 : i32
      %dma_start3A_101 = arith.constant 0 : i32
      %dma_start3A_102 = arith.constant 0 : i32
      %dma_start3A_103 = tpu.memref_slice %arg6[%dma_start3A_100, %dma_start3A_101, %dma_start3A_102] : memref<3x80x128xf32, #tpu.memory_space<vmem>> -> memref<1x80x128xf32, #tpu.memory_space<vmem>>
      %dma_start3A_104 = tpu.memref_squeeze %dma_start3A_103 : memref<1x80x128xf32, #tpu.memory_space<vmem>> -> memref<80x128xf32, #tpu.memory_space<vmem>>
      %dma_start3A_105 = arith.constant 0 : i32
      %dma_start3A_106 = tpu.memref_slice %arg4[%add3A_99, %dma_start3A_105] : memref<15360x128xf32, #tpu.memory_space<hbm>> -> memref<80x128xf32, #tpu.memory_space<hbm>>
      %dma_start3A_107 = arith.constant 0 : i32
      %dma_start3A_108 = tpu.memref_slice %arg4[%add3A_99, %dma_start3A_107] : memref<15360x128xf32, #tpu.memory_space<hbm>> -> memref<80x128xf32, #tpu.memory_space<hbm>>
      %dma_start3A_109 = arith.constant 0 : i32
      %dma_start3A_110 = arith.constant 0 : i32
      %dma_start3A_111 = tpu.memref_slice %arg6[%dma_start3A_100, %dma_start3A_109, %dma_start3A_110] : memref<3x80x128xf32, #tpu.memory_space<vmem>> -> memref<1x80x128xf32, #tpu.memory_space<vmem>>
      %dma_start3A_112 = tpu.memref_squeeze %dma_start3A_111 : memref<1x80x128xf32, #tpu.memory_space<vmem>> -> memref<80x128xf32, #tpu.memory_space<vmem>>
      tpu.enqueue_dma source(%dma_start3A_112 : memref<80x128xf32, #tpu.memory_space<vmem>>) target(%dma_start3A_108 : memref<80x128xf32, #tpu.memory_space<hbm>>) target_semaphore(%arg9 : memref<!tpu.dma_semaphore, #tpu.memory_space<semaphore_mem>>)
      %add3A_113 = arith.constant 2 : i32
      %add3A_114 = arith.addi %mul3A_12, %add3A_113 : i32
      %mul3A_115 = arith.constant 80 : i32
      %mul3A_116 = arith.muli %add3A_114, %mul3A_115 : i32
      %add3A_117 = arith.addi %mul3A_2, %mul3A_116 : i32
      %dma_start3A_118 = arith.constant 2 : i32
      %dma_start3A_119 = arith.constant 0 : i32
      %dma_start3A_120 = arith.constant 0 : i32
      %dma_start3A_121 = tpu.memref_slice %arg6[%dma_start3A_118, %dma_start3A_119, %dma_start3A_120] : memref<3x80x128xf32, #tpu.memory_space<vmem>> -> memref<1x80x128xf32, #tpu.memory_space<vmem>>
      %dma_start3A_122 = tpu.memref_squeeze %dma_start3A_121 : memref<1x80x128xf32, #tpu.memory_space<vmem>> -> memref<80x128xf32, #tpu.memory_space<vmem>>
      %dma_start3A_123 = arith.constant 0 : i32
      %dma_start3A_124 = tpu.memref_slice %arg4[%add3A_117, %dma_start3A_123] : memref<15360x128xf32, #tpu.memory_space<hbm>> -> memref<80x128xf32, #tpu.memory_space<hbm>>
      %dma_start3A_125 = arith.constant 0 : i32
      %dma_start3A_126 = tpu.memref_slice %arg4[%add3A_117, %dma_start3A_125] : memref<15360x128xf32, #tpu.memory_space<hbm>> -> memref<80x128xf32, #tpu.memory_space<hbm>>
      %dma_start3A_127 = arith.constant 0 : i32
      %dma_start3A_128 = arith.constant 0 : i32
      %dma_start3A_129 = tpu.memref_slice %arg6[%dma_start3A_118, %dma_start3A_127, %dma_start3A_128] : memref<3x80x128xf32, #tpu.memory_space<vmem>> -> memref<1x80x128xf32, #tpu.memory_space<vmem>>
      %dma_start3A_130 = tpu.memref_squeeze %dma_start3A_129 : memref<1x80x128xf32, #tpu.memory_space<vmem>> -> memref<80x128xf32, #tpu.memory_space<vmem>>
      tpu.enqueue_dma source(%dma_start3A_130 : memref<80x128xf32, #tpu.memory_space<vmem>>) target(%dma_start3A_126 : memref<80x128xf32, #tpu.memory_space<hbm>>) target_semaphore(%arg9 : memref<!tpu.dma_semaphore, #tpu.memory_space<semaphore_mem>>)
      %dma_wait3A_131 = arith.constant 0 : i32
      %dma_wait3A_132 = arith.constant 0 : i32
      %dma_wait3A_133 = arith.constant 0 : i32
      %dma_wait3A_134 = tpu.memref_slice %arg6[%dma_wait3A_131, %dma_wait3A_132, %dma_wait3A_133] : memref<3x80x128xf32, #tpu.memory_space<vmem>> -> memref<1x80x128xf32, #tpu.memory_space<vmem>>
      %dma_wait3A_135 = tpu.memref_squeeze %dma_wait3A_134 : memref<1x80x128xf32, #tpu.memory_space<vmem>> -> memref<80x128xf32, #tpu.memory_space<vmem>>
      %dma_wait3A_136 = arith.constant 0 : i32
      %dma_wait3A_137 = tpu.memref_slice %arg4[%add3A_81, %dma_wait3A_136] : memref<15360x128xf32, #tpu.memory_space<hbm>> -> memref<80x128xf32, #tpu.memory_space<hbm>>
      %dma_wait3A_138 = arith.constant 0 : i32
      %dma_wait3A_139 = tpu.memref_slice %arg4[%add3A_81, %dma_wait3A_138] : memref<15360x128xf32, #tpu.memory_space<hbm>> -> memref<80x128xf32, #tpu.memory_space<hbm>>
      %dma_wait3A_140 = arith.constant 0 : i32
      %dma_wait3A_141 = arith.constant 0 : i32
      %dma_wait3A_142 = tpu.memref_slice %arg6[%dma_wait3A_131, %dma_wait3A_140, %dma_wait3A_141] : memref<3x80x128xf32, #tpu.memory_space<vmem>> -> memref<1x80x128xf32, #tpu.memory_space<vmem>>
      %dma_wait3A_143 = tpu.memref_squeeze %dma_wait3A_142 : memref<1x80x128xf32, #tpu.memory_space<vmem>> -> memref<80x128xf32, #tpu.memory_space<vmem>>
      tpu.wait_dma2 semaphore(%arg9 : memref<!tpu.dma_semaphore, #tpu.memory_space<semaphore_mem>>) src(%dma_wait3A_143 : memref<80x128xf32, #tpu.memory_space<vmem>>) dst(%dma_wait3A_139 : memref<80x128xf32, #tpu.memory_space<hbm>>)
      %dma_wait3A_144 = arith.constant 1 : i32
      %dma_wait3A_145 = arith.constant 0 : i32
      %dma_wait3A_146 = arith.constant 0 : i32
      %dma_wait3A_147 = tpu.memref_slice %arg6[%dma_wait3A_144, %dma_wait3A_145, %dma_wait3A_146] : memref<3x80x128xf32, #tpu.memory_space<vmem>> -> memref<1x80x128xf32, #tpu.memory_space<vmem>>
      %dma_wait3A_148 = tpu.memref_squeeze %dma_wait3A_147 : memref<1x80x128xf32, #tpu.memory_space<vmem>> -> memref<80x128xf32, #tpu.memory_space<vmem>>
      %dma_wait3A_149 = arith.constant 0 : i32
      %dma_wait3A_150 = tpu.memref_slice %arg4[%add3A_99, %dma_wait3A_149] : memref<15360x128xf32, #tpu.memory_space<hbm>> -> memref<80x128xf32, #tpu.memory_space<hbm>>
      %dma_wait3A_151 = arith.constant 0 : i32
      %dma_wait3A_152 = tpu.memref_slice %arg4[%add3A_99, %dma_wait3A_151] : memref<15360x128xf32, #tpu.memory_space<hbm>> -> memref<80x128xf32, #tpu.memory_space<hbm>>
      %dma_wait3A_153 = arith.constant 0 : i32
      %dma_wait3A_154 = arith.constant 0 : i32
      %dma_wait3A_155 = tpu.memref_slice %arg6[%dma_wait3A_144, %dma_wait3A_153, %dma_wait3A_154] : memref<3x80x128xf32, #tpu.memory_space<vmem>> -> memref<1x80x128xf32, #tpu.memory_space<vmem>>
      %dma_wait3A_156 = tpu.memref_squeeze %dma_wait3A_155 : memref<1x80x128xf32, #tpu.memory_space<vmem>> -> memref<80x128xf32, #tpu.memory_space<vmem>>
      tpu.wait_dma2 semaphore(%arg9 : memref<!tpu.dma_semaphore, #tpu.memory_space<semaphore_mem>>) src(%dma_wait3A_156 : memref<80x128xf32, #tpu.memory_space<vmem>>) dst(%dma_wait3A_152 : memref<80x128xf32, #tpu.memory_space<hbm>>)
      %dma_wait3A_157 = arith.constant 2 : i32
      %dma_wait3A_158 = arith.constant 0 : i32
      %dma_wait3A_159 = arith.constant 0 : i32
      %dma_wait3A_160 = tpu.memref_slice %arg6[%dma_wait3A_157, %dma_wait3A_158, %dma_wait3A_159] : memref<3x80x128xf32, #tpu.memory_space<vmem>> -> memref<1x80x128xf32, #tpu.memory_space<vmem>>
      %dma_wait3A_161 = tpu.memref_squeeze %dma_wait3A_160 : memref<1x80x128xf32, #tpu.memory_space<vmem>> -> memref<80x128xf32, #tpu.memory_space<vmem>>
      %dma_wait3A_162 = arith.constant 0 : i32
      %dma_wait3A_163 = tpu.memref_slice %arg4[%add3A_117, %dma_wait3A_162] : memref<15360x128xf32, #tpu.memory_space<hbm>> -> memref<80x128xf32, #tpu.memory_space<hbm>>
      %dma_wait3A_164 = arith.constant 0 : i32
      %dma_wait3A_165 = tpu.memref_slice %arg4[%add3A_117, %dma_wait3A_164] : memref<15360x128xf32, #tpu.memory_space<hbm>> -> memref<80x128xf32, #tpu.memory_space<hbm>>
      %dma_wait3A_166 = arith.constant 0 : i32
      %dma_wait3A_167 = arith.constant 0 : i32
      %dma_wait3A_168 = tpu.memref_slice %arg6[%dma_wait3A_157, %dma_wait3A_166, %dma_wait3A_167] : memref<3x80x128xf32, #tpu.memory_space<vmem>> -> memref<1x80x128xf32, #tpu.memory_space<vmem>>
      %dma_wait3A_169 = tpu.memref_squeeze %dma_wait3A_168 : memref<1x80x128xf32, #tpu.memory_space<vmem>> -> memref<80x128xf32, #tpu.memory_space<vmem>>
      tpu.wait_dma2 semaphore(%arg9 : memref<!tpu.dma_semaphore, #tpu.memory_space<semaphore_mem>>) src(%dma_wait3A_169 : memref<80x128xf32, #tpu.memory_space<vmem>>) dst(%dma_wait3A_165 : memref<80x128xf32, #tpu.memory_space<hbm>>)
    }
    %scan3A_9 = arith.constant 2 : i32
    return
  }
}

#map = affine_map<(d0, d1) -> (0, 0)>
#map1 = affine_map<(d0, d1) -> (0)>
module attributes {stable_mosaic.version = 14 : i64} {
  func.func @k(%arg0: i32, %arg1: i32, %arg2: memref<1000x128xf32, #tpu.memory_space<hbm>>, %arg3: memref<30720xi32, #tpu.memory_space<hbm>>, %arg4: memref<30720x128xf32, #tpu.memory_space<hbm>>, %arg5: memref<960xi32, #tpu.memory_space<vmem>>, %arg6: memref<4x80x128xf32, #tpu.memory_space<vmem>>, %arg7: memref<1000x128xf32, #tpu.memory_space<vmem_shared>>, %arg8: memref<!tpu.dma_semaphore, #tpu.memory_space<semaphore_mem>>, %arg9: memref<!tpu.dma_semaphore, #tpu.memory_space<semaphore_mem>>) attributes {dimension_semantics = [#tpu.dimension_semantics<core_parallel>, #tpu.dimension_semantics<subcore_parallel>], iteration_bounds = array<i64: 2, 16>, scalar_prefetch = 0 : i64, scratch_operands = 5 : i64, tpu.core_type = #tpu.core_type<sc_vector_subcore>, window_params = [{transform_indices = #map}, {transform_indices = #map1}, {transform_indices = #map}]} {
    %mul3A = arith.constant 2 : i32
    %mul3A_0 = arith.muli %arg1, %mul3A : i32
    %add3A = arith.addi %mul3A_0, %arg0 : i32
    %mul3A_1 = arith.constant 960 : i32
    %mul3A_2 = arith.muli %add3A, %mul3A_1 : i32
    %eq3A = arith.constant 0 : i32
    %eq3A_3 = arith.cmpi eq, %arg1, %eq3A : i32
    %convert_element_type3A = arith.extui %eq3A_3 : i1 to i32
    %cond3A = arith.constant 0 : i32
    %cond3A_4 = arith.cmpi ne, %convert_element_type3A, %cond3A : i32
    scf.if %cond3A_4 {
      "tpu.region"() ({
        %run_scoped3A = tpu.sem_alloc : memref<!tpu.dma_semaphore, #tpu.memory_space<semaphore_mem>>
        tpu.enqueue_dma source(%arg2 : memref<1000x128xf32, #tpu.memory_space<hbm>>) target(%arg7 : memref<1000x128xf32, #tpu.memory_space<vmem_shared>>) target_semaphore(%run_scoped3A : memref<!tpu.dma_semaphore, #tpu.memory_space<semaphore_mem>>)
        tpu.wait_dma2 semaphore(%run_scoped3A : memref<!tpu.dma_semaphore, #tpu.memory_space<semaphore_mem>>) src(%arg2 : memref<1000x128xf32, #tpu.memory_space<hbm>>) dst(%arg7 : memref<1000x128xf32, #tpu.memory_space<vmem_shared>>)
        tpu.yield
      }) : () -> ()
    } else {
    }
    "tpu.region"() ({
      %run_scoped3A = tpu.sem_alloc : memref<!tpu.dma_semaphore, #tpu.memory_space<semaphore_mem>>
      %dma_start3A = tpu.memref_slice %arg3[%mul3A_2] : memref<30720xi32, #tpu.memory_space<hbm>> -> memref<960xi32, #tpu.memory_space<hbm>>
      %dma_start3A_10 = tpu.memref_slice %arg3[%mul3A_2] : memref<30720xi32, #tpu.memory_space<hbm>> -> memref<960xi32, #tpu.memory_space<hbm>>
      tpu.enqueue_dma source(%dma_start3A_10 : memref<960xi32, #tpu.memory_space<hbm>>) target(%arg5 : memref<960xi32, #tpu.memory_space<vmem>>) target_semaphore(%run_scoped3A : memref<!tpu.dma_semaphore, #tpu.memory_space<semaphore_mem>>)
      %dma_wait3A = tpu.memref_slice %arg3[%mul3A_2] : memref<30720xi32, #tpu.memory_space<hbm>> -> memref<960xi32, #tpu.memory_space<hbm>>
      %dma_wait3A_11 = tpu.memref_slice %arg3[%mul3A_2] : memref<30720xi32, #tpu.memory_space<hbm>> -> memref<960xi32, #tpu.memory_space<hbm>>
      tpu.wait_dma2 semaphore(%run_scoped3A : memref<!tpu.dma_semaphore, #tpu.memory_space<semaphore_mem>>) src(%dma_wait3A_11 : memref<960xi32, #tpu.memory_space<hbm>>) dst(%arg5 : memref<960xi32, #tpu.memory_space<vmem>>)
      tpu.yield
    }) : () -> ()
    %barrier3A = arith.constant 0 : index
    tpu.barrier barrier_id(%barrier3A)
    %scan3A = arith.constant 0 : i32
    %scan3A_5 = arith.constant 0 : i32
    %scan3A_6 = arith.constant 3 : i32
    %scan3A_7 = arith.addi %scan3A_5, %scan3A_6 : i32
    %scan3A_8 = arith.constant 1 : i32
    scf.for %scan3A_10 = %scan3A_5 to %scan3A_7 step %scan3A_8  : i32 {
      %mul3A_11 = arith.constant 4 : i32
      %mul3A_12 = arith.muli %scan3A_10, %mul3A_11 : i32
      %add3A_13 = arith.constant 0 : i32
      %add3A_14 = arith.addi %mul3A_12, %add3A_13 : i32
      %mul3A_15 = arith.constant 80 : i32
      %mul3A_16 = arith.muli %add3A_14, %mul3A_15 : i32
      %dma_start3A = arith.constant 0 : i32
      %dma_start3A_17 = arith.constant 0 : i32
      %dma_start3A_18 = arith.constant 0 : i32
      %dma_start3A_19 = tpu.memref_slice %arg6[%dma_start3A, %dma_start3A_17, %dma_start3A_18] : memref<4x80x128xf32, #tpu.memory_space<vmem>> -> memref<1x80x128xf32, #tpu.memory_space<vmem>>
      %dma_start3A_20 = tpu.memref_squeeze %dma_start3A_19 : memref<1x80x128xf32, #tpu.memory_space<vmem>> -> memref<80x128xf32, #tpu.memory_space<vmem>>
      %dma_start3A_21 = tpu.memref_slice %arg5[%mul3A_16] : memref<960xi32, #tpu.memory_space<vmem>> -> memref<80xi32, #tpu.memory_space<vmem>>
      %dma_start3A_22 = arith.constant 0 : i32
      %dma_start3A_23 = arith.constant 0 : i32
      %dma_start3A_24 = tpu.memref_slice %arg7[%dma_start3A_22, %dma_start3A_23] : memref<1000x128xf32, #tpu.memory_space<vmem_shared>> -> memref<1000x128xf32, #tpu.memory_space<vmem_shared>>
      tpu.enqueue_indirect_dma source(%dma_start3A_24 : memref<1000x128xf32, #tpu.memory_space<vmem_shared>>) target(%dma_start3A_20 : memref<80x128xf32, #tpu.memory_space<vmem>>) offsets(%dma_start3A_21 : memref<80xi32, #tpu.memory_space<vmem>>) semaphore(%arg8 : memref<!tpu.dma_semaphore, #tpu.memory_space<semaphore_mem>>)
      %add3A_25 = arith.constant 1 : i32
      %add3A_26 = arith.addi %mul3A_12, %add3A_25 : i32
      %mul3A_27 = arith.constant 80 : i32
      %mul3A_28 = arith.muli %add3A_26, %mul3A_27 : i32
      %dma_start3A_29 = arith.constant 1 : i32
      %dma_start3A_30 = arith.constant 0 : i32
      %dma_start3A_31 = arith.constant 0 : i32
      %dma_start3A_32 = tpu.memref_slice %arg6[%dma_start3A_29, %dma_start3A_30, %dma_start3A_31] : memref<4x80x128xf32, #tpu.memory_space<vmem>> -> memref<1x80x128xf32, #tpu.memory_space<vmem>>
      %dma_start3A_33 = tpu.memref_squeeze %dma_start3A_32 : memref<1x80x128xf32, #tpu.memory_space<vmem>> -> memref<80x128xf32, #tpu.memory_space<vmem>>
      %dma_start3A_34 = tpu.memref_slice %arg5[%mul3A_28] : memref<960xi32, #tpu.memory_space<vmem>> -> memref<80xi32, #tpu.memory_space<vmem>>
      %dma_start3A_35 = arith.constant 0 : i32
      %dma_start3A_36 = arith.constant 0 : i32
      %dma_start3A_37 = tpu.memref_slice %arg7[%dma_start3A_35, %dma_start3A_36] : memref<1000x128xf32, #tpu.memory_space<vmem_shared>> -> memref<1000x128xf32, #tpu.memory_space<vmem_shared>>
      tpu.enqueue_indirect_dma source(%dma_start3A_37 : memref<1000x128xf32, #tpu.memory_space<vmem_shared>>) target(%dma_start3A_33 : memref<80x128xf32, #tpu.memory_space<vmem>>) offsets(%dma_start3A_34 : memref<80xi32, #tpu.memory_space<vmem>>) semaphore(%arg8 : memref<!tpu.dma_semaphore, #tpu.memory_space<semaphore_mem>>)
      %add3A_38 = arith.constant 2 : i32
      %add3A_39 = arith.addi %mul3A_12, %add3A_38 : i32
      %mul3A_40 = arith.constant 80 : i32
      %mul3A_41 = arith.muli %add3A_39, %mul3A_40 : i32
      %dma_start3A_42 = arith.constant 2 : i32
      %dma_start3A_43 = arith.constant 0 : i32
      %dma_start3A_44 = arith.constant 0 : i32
      %dma_start3A_45 = tpu.memref_slice %arg6[%dma_start3A_42, %dma_start3A_43, %dma_start3A_44] : memref<4x80x128xf32, #tpu.memory_space<vmem>> -> memref<1x80x128xf32, #tpu.memory_space<vmem>>
      %dma_start3A_46 = tpu.memref_squeeze %dma_start3A_45 : memref<1x80x128xf32, #tpu.memory_space<vmem>> -> memref<80x128xf32, #tpu.memory_space<vmem>>
      %dma_start3A_47 = tpu.memref_slice %arg5[%mul3A_41] : memref<960xi32, #tpu.memory_space<vmem>> -> memref<80xi32, #tpu.memory_space<vmem>>
      %dma_start3A_48 = arith.constant 0 : i32
      %dma_start3A_49 = arith.constant 0 : i32
      %dma_start3A_50 = tpu.memref_slice %arg7[%dma_start3A_48, %dma_start3A_49] : memref<1000x128xf32, #tpu.memory_space<vmem_shared>> -> memref<1000x128xf32, #tpu.memory_space<vmem_shared>>
      tpu.enqueue_indirect_dma source(%dma_start3A_50 : memref<1000x128xf32, #tpu.memory_space<vmem_shared>>) target(%dma_start3A_46 : memref<80x128xf32, #tpu.memory_space<vmem>>) offsets(%dma_start3A_47 : memref<80xi32, #tpu.memory_space<vmem>>) semaphore(%arg8 : memref<!tpu.dma_semaphore, #tpu.memory_space<semaphore_mem>>)
      %add3A_51 = arith.constant 3 : i32
      %add3A_52 = arith.addi %mul3A_12, %add3A_51 : i32
      %mul3A_53 = arith.constant 80 : i32
      %mul3A_54 = arith.muli %add3A_52, %mul3A_53 : i32
      %dma_start3A_55 = arith.constant 3 : i32
      %dma_start3A_56 = arith.constant 0 : i32
      %dma_start3A_57 = arith.constant 0 : i32
      %dma_start3A_58 = tpu.memref_slice %arg6[%dma_start3A_55, %dma_start3A_56, %dma_start3A_57] : memref<4x80x128xf32, #tpu.memory_space<vmem>> -> memref<1x80x128xf32, #tpu.memory_space<vmem>>
      %dma_start3A_59 = tpu.memref_squeeze %dma_start3A_58 : memref<1x80x128xf32, #tpu.memory_space<vmem>> -> memref<80x128xf32, #tpu.memory_space<vmem>>
      %dma_start3A_60 = tpu.memref_slice %arg5[%mul3A_54] : memref<960xi32, #tpu.memory_space<vmem>> -> memref<80xi32, #tpu.memory_space<vmem>>
      %dma_start3A_61 = arith.constant 0 : i32
      %dma_start3A_62 = arith.constant 0 : i32
      %dma_start3A_63 = tpu.memref_slice %arg7[%dma_start3A_61, %dma_start3A_62] : memref<1000x128xf32, #tpu.memory_space<vmem_shared>> -> memref<1000x128xf32, #tpu.memory_space<vmem_shared>>
      tpu.enqueue_indirect_dma source(%dma_start3A_63 : memref<1000x128xf32, #tpu.memory_space<vmem_shared>>) target(%dma_start3A_59 : memref<80x128xf32, #tpu.memory_space<vmem>>) offsets(%dma_start3A_60 : memref<80xi32, #tpu.memory_space<vmem>>) semaphore(%arg8 : memref<!tpu.dma_semaphore, #tpu.memory_space<semaphore_mem>>)
      %dma_wait3A = arith.constant 0 : i32
      %dma_wait3A_64 = arith.constant 0 : i32
      %dma_wait3A_65 = arith.constant 0 : i32
      %dma_wait3A_66 = tpu.memref_slice %arg6[%dma_wait3A, %dma_wait3A_64, %dma_wait3A_65] : memref<4x80x128xf32, #tpu.memory_space<vmem>> -> memref<1x80x128xf32, #tpu.memory_space<vmem>>
      %dma_wait3A_67 = tpu.memref_squeeze %dma_wait3A_66 : memref<1x80x128xf32, #tpu.memory_space<vmem>> -> memref<80x128xf32, #tpu.memory_space<vmem>>
      %dma_wait3A_68 = tpu.memref_slice %arg5[%mul3A_16] : memref<960xi32, #tpu.memory_space<vmem>> -> memref<80xi32, #tpu.memory_space<vmem>>
      %dma_wait3A_69 = arith.constant 0 : i32
      %dma_wait3A_70 = arith.constant 0 : i32
      %dma_wait3A_71 = tpu.memref_slice %arg7[%dma_wait3A_69, %dma_wait3A_70] : memref<1000x128xf32, #tpu.memory_space<vmem_shared>> -> memref<1000x128xf32, #tpu.memory_space<vmem_shared>>
      tpu.wait_indirect_dma semaphore(%arg8 : memref<!tpu.dma_semaphore, #tpu.memory_space<semaphore_mem>>) src(%dma_wait3A_71 : memref<1000x128xf32, #tpu.memory_space<vmem_shared>>) dst(%dma_wait3A_67 : memref<80x128xf32, #tpu.memory_space<vmem>>)
      %dma_wait3A_72 = arith.constant 1 : i32
      %dma_wait3A_73 = arith.constant 0 : i32
      %dma_wait3A_74 = arith.constant 0 : i32
      %dma_wait3A_75 = tpu.memref_slice %arg6[%dma_wait3A_72, %dma_wait3A_73, %dma_wait3A_74] : memref<4x80x128xf32, #tpu.memory_space<vmem>> -> memref<1x80x128xf32, #tpu.memory_space<vmem>>
      %dma_wait3A_76 = tpu.memref_squeeze %dma_wait3A_75 : memref<1x80x128xf32, #tpu.memory_space<vmem>> -> memref<80x128xf32, #tpu.memory_space<vmem>>
      %dma_wait3A_77 = tpu.memref_slice %arg5[%mul3A_28] : memref<960xi32, #tpu.memory_space<vmem>> -> memref<80xi32, #tpu.memory_space<vmem>>
      %dma_wait3A_78 = arith.constant 0 : i32
      %dma_wait3A_79 = arith.constant 0 : i32
      %dma_wait3A_80 = tpu.memref_slice %arg7[%dma_wait3A_78, %dma_wait3A_79] : memref<1000x128xf32, #tpu.memory_space<vmem_shared>> -> memref<1000x128xf32, #tpu.memory_space<vmem_shared>>
      tpu.wait_indirect_dma semaphore(%arg8 : memref<!tpu.dma_semaphore, #tpu.memory_space<semaphore_mem>>) src(%dma_wait3A_80 : memref<1000x128xf32, #tpu.memory_space<vmem_shared>>) dst(%dma_wait3A_76 : memref<80x128xf32, #tpu.memory_space<vmem>>)
      %dma_wait3A_81 = arith.constant 2 : i32
      %dma_wait3A_82 = arith.constant 0 : i32
      %dma_wait3A_83 = arith.constant 0 : i32
      %dma_wait3A_84 = tpu.memref_slice %arg6[%dma_wait3A_81, %dma_wait3A_82, %dma_wait3A_83] : memref<4x80x128xf32, #tpu.memory_space<vmem>> -> memref<1x80x128xf32, #tpu.memory_space<vmem>>
      %dma_wait3A_85 = tpu.memref_squeeze %dma_wait3A_84 : memref<1x80x128xf32, #tpu.memory_space<vmem>> -> memref<80x128xf32, #tpu.memory_space<vmem>>
      %dma_wait3A_86 = tpu.memref_slice %arg5[%mul3A_41] : memref<960xi32, #tpu.memory_space<vmem>> -> memref<80xi32, #tpu.memory_space<vmem>>
      %dma_wait3A_87 = arith.constant 0 : i32
      %dma_wait3A_88 = arith.constant 0 : i32
      %dma_wait3A_89 = tpu.memref_slice %arg7[%dma_wait3A_87, %dma_wait3A_88] : memref<1000x128xf32, #tpu.memory_space<vmem_shared>> -> memref<1000x128xf32, #tpu.memory_space<vmem_shared>>
      tpu.wait_indirect_dma semaphore(%arg8 : memref<!tpu.dma_semaphore, #tpu.memory_space<semaphore_mem>>) src(%dma_wait3A_89 : memref<1000x128xf32, #tpu.memory_space<vmem_shared>>) dst(%dma_wait3A_85 : memref<80x128xf32, #tpu.memory_space<vmem>>)
      %dma_wait3A_90 = arith.constant 3 : i32
      %dma_wait3A_91 = arith.constant 0 : i32
      %dma_wait3A_92 = arith.constant 0 : i32
      %dma_wait3A_93 = tpu.memref_slice %arg6[%dma_wait3A_90, %dma_wait3A_91, %dma_wait3A_92] : memref<4x80x128xf32, #tpu.memory_space<vmem>> -> memref<1x80x128xf32, #tpu.memory_space<vmem>>
      %dma_wait3A_94 = tpu.memref_squeeze %dma_wait3A_93 : memref<1x80x128xf32, #tpu.memory_space<vmem>> -> memref<80x128xf32, #tpu.memory_space<vmem>>
      %dma_wait3A_95 = tpu.memref_slice %arg5[%mul3A_54] : memref<960xi32, #tpu.memory_space<vmem>> -> memref<80xi32, #tpu.memory_space<vmem>>
      %dma_wait3A_96 = arith.constant 0 : i32
      %dma_wait3A_97 = arith.constant 0 : i32
      %dma_wait3A_98 = tpu.memref_slice %arg7[%dma_wait3A_96, %dma_wait3A_97] : memref<1000x128xf32, #tpu.memory_space<vmem_shared>> -> memref<1000x128xf32, #tpu.memory_space<vmem_shared>>
      tpu.wait_indirect_dma semaphore(%arg8 : memref<!tpu.dma_semaphore, #tpu.memory_space<semaphore_mem>>) src(%dma_wait3A_98 : memref<1000x128xf32, #tpu.memory_space<vmem_shared>>) dst(%dma_wait3A_94 : memref<80x128xf32, #tpu.memory_space<vmem>>)
      %add3A_99 = arith.constant 0 : i32
      %add3A_100 = arith.addi %mul3A_12, %add3A_99 : i32
      %mul3A_101 = arith.constant 80 : i32
      %mul3A_102 = arith.muli %add3A_100, %mul3A_101 : i32
      %add3A_103 = arith.addi %mul3A_2, %mul3A_102 : i32
      %dma_start3A_104 = arith.constant 0 : i32
      %dma_start3A_105 = arith.constant 0 : i32
      %dma_start3A_106 = arith.constant 0 : i32
      %dma_start3A_107 = tpu.memref_slice %arg6[%dma_start3A_104, %dma_start3A_105, %dma_start3A_106] : memref<4x80x128xf32, #tpu.memory_space<vmem>> -> memref<1x80x128xf32, #tpu.memory_space<vmem>>
      %dma_start3A_108 = tpu.memref_squeeze %dma_start3A_107 : memref<1x80x128xf32, #tpu.memory_space<vmem>> -> memref<80x128xf32, #tpu.memory_space<vmem>>
      %dma_start3A_109 = arith.constant 0 : i32
      %dma_start3A_110 = tpu.memref_slice %arg4[%add3A_103, %dma_start3A_109] : memref<30720x128xf32, #tpu.memory_space<hbm>> -> memref<80x128xf32, #tpu.memory_space<hbm>>
      %dma_start3A_111 = arith.constant 0 : i32
      %dma_start3A_112 = tpu.memref_slice %arg4[%add3A_103, %dma_start3A_111] : memref<30720x128xf32, #tpu.memory_space<hbm>> -> memref<80x128xf32, #tpu.memory_space<hbm>>
      %dma_start3A_113 = arith.constant 0 : i32
      %dma_start3A_114 = arith.constant 0 : i32
      %dma_start3A_115 = tpu.memref_slice %arg6[%dma_start3A_104, %dma_start3A_113, %dma_start3A_114] : memref<4x80x128xf32, #tpu.memory_space<vmem>> -> memref<1x80x128xf32, #tpu.memory_space<vmem>>
      %dma_start3A_116 = tpu.memref_squeeze %dma_start3A_115 : memref<1x80x128xf32, #tpu.memory_space<vmem>> -> memref<80x128xf32, #tpu.memory_space<vmem>>
      tpu.enqueue_dma source(%dma_start3A_116 : memref<80x128xf32, #tpu.memory_space<vmem>>) target(%dma_start3A_112 : memref<80x128xf32, #tpu.memory_space<hbm>>) target_semaphore(%arg9 : memref<!tpu.dma_semaphore, #tpu.memory_space<semaphore_mem>>)
      %add3A_117 = arith.constant 1 : i32
      %add3A_118 = arith.addi %mul3A_12, %add3A_117 : i32
      %mul3A_119 = arith.constant 80 : i32
      %mul3A_120 = arith.muli %add3A_118, %mul3A_119 : i32
      %add3A_121 = arith.addi %mul3A_2, %mul3A_120 : i32
      %dma_start3A_122 = arith.constant 1 : i32
      %dma_start3A_123 = arith.constant 0 : i32
      %dma_start3A_124 = arith.constant 0 : i32
      %dma_start3A_125 = tpu.memref_slice %arg6[%dma_start3A_122, %dma_start3A_123, %dma_start3A_124] : memref<4x80x128xf32, #tpu.memory_space<vmem>> -> memref<1x80x128xf32, #tpu.memory_space<vmem>>
      %dma_start3A_126 = tpu.memref_squeeze %dma_start3A_125 : memref<1x80x128xf32, #tpu.memory_space<vmem>> -> memref<80x128xf32, #tpu.memory_space<vmem>>
      %dma_start3A_127 = arith.constant 0 : i32
      %dma_start3A_128 = tpu.memref_slice %arg4[%add3A_121, %dma_start3A_127] : memref<30720x128xf32, #tpu.memory_space<hbm>> -> memref<80x128xf32, #tpu.memory_space<hbm>>
      %dma_start3A_129 = arith.constant 0 : i32
      %dma_start3A_130 = tpu.memref_slice %arg4[%add3A_121, %dma_start3A_129] : memref<30720x128xf32, #tpu.memory_space<hbm>> -> memref<80x128xf32, #tpu.memory_space<hbm>>
      %dma_start3A_131 = arith.constant 0 : i32
      %dma_start3A_132 = arith.constant 0 : i32
      %dma_start3A_133 = tpu.memref_slice %arg6[%dma_start3A_122, %dma_start3A_131, %dma_start3A_132] : memref<4x80x128xf32, #tpu.memory_space<vmem>> -> memref<1x80x128xf32, #tpu.memory_space<vmem>>
      %dma_start3A_134 = tpu.memref_squeeze %dma_start3A_133 : memref<1x80x128xf32, #tpu.memory_space<vmem>> -> memref<80x128xf32, #tpu.memory_space<vmem>>
      tpu.enqueue_dma source(%dma_start3A_134 : memref<80x128xf32, #tpu.memory_space<vmem>>) target(%dma_start3A_130 : memref<80x128xf32, #tpu.memory_space<hbm>>) target_semaphore(%arg9 : memref<!tpu.dma_semaphore, #tpu.memory_space<semaphore_mem>>)
      %add3A_135 = arith.constant 2 : i32
      %add3A_136 = arith.addi %mul3A_12, %add3A_135 : i32
      %mul3A_137 = arith.constant 80 : i32
      %mul3A_138 = arith.muli %add3A_136, %mul3A_137 : i32
      %add3A_139 = arith.addi %mul3A_2, %mul3A_138 : i32
      %dma_start3A_140 = arith.constant 2 : i32
      %dma_start3A_141 = arith.constant 0 : i32
      %dma_start3A_142 = arith.constant 0 : i32
      %dma_start3A_143 = tpu.memref_slice %arg6[%dma_start3A_140, %dma_start3A_141, %dma_start3A_142] : memref<4x80x128xf32, #tpu.memory_space<vmem>> -> memref<1x80x128xf32, #tpu.memory_space<vmem>>
      %dma_start3A_144 = tpu.memref_squeeze %dma_start3A_143 : memref<1x80x128xf32, #tpu.memory_space<vmem>> -> memref<80x128xf32, #tpu.memory_space<vmem>>
      %dma_start3A_145 = arith.constant 0 : i32
      %dma_start3A_146 = tpu.memref_slice %arg4[%add3A_139, %dma_start3A_145] : memref<30720x128xf32, #tpu.memory_space<hbm>> -> memref<80x128xf32, #tpu.memory_space<hbm>>
      %dma_start3A_147 = arith.constant 0 : i32
      %dma_start3A_148 = tpu.memref_slice %arg4[%add3A_139, %dma_start3A_147] : memref<30720x128xf32, #tpu.memory_space<hbm>> -> memref<80x128xf32, #tpu.memory_space<hbm>>
      %dma_start3A_149 = arith.constant 0 : i32
      %dma_start3A_150 = arith.constant 0 : i32
      %dma_start3A_151 = tpu.memref_slice %arg6[%dma_start3A_140, %dma_start3A_149, %dma_start3A_150] : memref<4x80x128xf32, #tpu.memory_space<vmem>> -> memref<1x80x128xf32, #tpu.memory_space<vmem>>
      %dma_start3A_152 = tpu.memref_squeeze %dma_start3A_151 : memref<1x80x128xf32, #tpu.memory_space<vmem>> -> memref<80x128xf32, #tpu.memory_space<vmem>>
      tpu.enqueue_dma source(%dma_start3A_152 : memref<80x128xf32, #tpu.memory_space<vmem>>) target(%dma_start3A_148 : memref<80x128xf32, #tpu.memory_space<hbm>>) target_semaphore(%arg9 : memref<!tpu.dma_semaphore, #tpu.memory_space<semaphore_mem>>)
      %add3A_153 = arith.constant 3 : i32
      %add3A_154 = arith.addi %mul3A_12, %add3A_153 : i32
      %mul3A_155 = arith.constant 80 : i32
      %mul3A_156 = arith.muli %add3A_154, %mul3A_155 : i32
      %add3A_157 = arith.addi %mul3A_2, %mul3A_156 : i32
      %dma_start3A_158 = arith.constant 3 : i32
      %dma_start3A_159 = arith.constant 0 : i32
      %dma_start3A_160 = arith.constant 0 : i32
      %dma_start3A_161 = tpu.memref_slice %arg6[%dma_start3A_158, %dma_start3A_159, %dma_start3A_160] : memref<4x80x128xf32, #tpu.memory_space<vmem>> -> memref<1x80x128xf32, #tpu.memory_space<vmem>>
      %dma_start3A_162 = tpu.memref_squeeze %dma_start3A_161 : memref<1x80x128xf32, #tpu.memory_space<vmem>> -> memref<80x128xf32, #tpu.memory_space<vmem>>
      %dma_start3A_163 = arith.constant 0 : i32
      %dma_start3A_164 = tpu.memref_slice %arg4[%add3A_157, %dma_start3A_163] : memref<30720x128xf32, #tpu.memory_space<hbm>> -> memref<80x128xf32, #tpu.memory_space<hbm>>
      %dma_start3A_165 = arith.constant 0 : i32
      %dma_start3A_166 = tpu.memref_slice %arg4[%add3A_157, %dma_start3A_165] : memref<30720x128xf32, #tpu.memory_space<hbm>> -> memref<80x128xf32, #tpu.memory_space<hbm>>
      %dma_start3A_167 = arith.constant 0 : i32
      %dma_start3A_168 = arith.constant 0 : i32
      %dma_start3A_169 = tpu.memref_slice %arg6[%dma_start3A_158, %dma_start3A_167, %dma_start3A_168] : memref<4x80x128xf32, #tpu.memory_space<vmem>> -> memref<1x80x128xf32, #tpu.memory_space<vmem>>
      %dma_start3A_170 = tpu.memref_squeeze %dma_start3A_169 : memref<1x80x128xf32, #tpu.memory_space<vmem>> -> memref<80x128xf32, #tpu.memory_space<vmem>>
      tpu.enqueue_dma source(%dma_start3A_170 : memref<80x128xf32, #tpu.memory_space<vmem>>) target(%dma_start3A_166 : memref<80x128xf32, #tpu.memory_space<hbm>>) target_semaphore(%arg9 : memref<!tpu.dma_semaphore, #tpu.memory_space<semaphore_mem>>)
      %dma_wait3A_171 = arith.constant 0 : i32
      %dma_wait3A_172 = arith.constant 0 : i32
      %dma_wait3A_173 = arith.constant 0 : i32
      %dma_wait3A_174 = tpu.memref_slice %arg6[%dma_wait3A_171, %dma_wait3A_172, %dma_wait3A_173] : memref<4x80x128xf32, #tpu.memory_space<vmem>> -> memref<1x80x128xf32, #tpu.memory_space<vmem>>
      %dma_wait3A_175 = tpu.memref_squeeze %dma_wait3A_174 : memref<1x80x128xf32, #tpu.memory_space<vmem>> -> memref<80x128xf32, #tpu.memory_space<vmem>>
      %dma_wait3A_176 = arith.constant 0 : i32
      %dma_wait3A_177 = tpu.memref_slice %arg4[%add3A_103, %dma_wait3A_176] : memref<30720x128xf32, #tpu.memory_space<hbm>> -> memref<80x128xf32, #tpu.memory_space<hbm>>
      %dma_wait3A_178 = arith.constant 0 : i32
      %dma_wait3A_179 = tpu.memref_slice %arg4[%add3A_103, %dma_wait3A_178] : memref<30720x128xf32, #tpu.memory_space<hbm>> -> memref<80x128xf32, #tpu.memory_space<hbm>>
      %dma_wait3A_180 = arith.constant 0 : i32
      %dma_wait3A_181 = arith.constant 0 : i32
      %dma_wait3A_182 = tpu.memref_slice %arg6[%dma_wait3A_171, %dma_wait3A_180, %dma_wait3A_181] : memref<4x80x128xf32, #tpu.memory_space<vmem>> -> memref<1x80x128xf32, #tpu.memory_space<vmem>>
      %dma_wait3A_183 = tpu.memref_squeeze %dma_wait3A_182 : memref<1x80x128xf32, #tpu.memory_space<vmem>> -> memref<80x128xf32, #tpu.memory_space<vmem>>
      tpu.wait_dma2 semaphore(%arg9 : memref<!tpu.dma_semaphore, #tpu.memory_space<semaphore_mem>>) src(%dma_wait3A_183 : memref<80x128xf32, #tpu.memory_space<vmem>>) dst(%dma_wait3A_179 : memref<80x128xf32, #tpu.memory_space<hbm>>)
      %dma_wait3A_184 = arith.constant 1 : i32
      %dma_wait3A_185 = arith.constant 0 : i32
      %dma_wait3A_186 = arith.constant 0 : i32
      %dma_wait3A_187 = tpu.memref_slice %arg6[%dma_wait3A_184, %dma_wait3A_185, %dma_wait3A_186] : memref<4x80x128xf32, #tpu.memory_space<vmem>> -> memref<1x80x128xf32, #tpu.memory_space<vmem>>
      %dma_wait3A_188 = tpu.memref_squeeze %dma_wait3A_187 : memref<1x80x128xf32, #tpu.memory_space<vmem>> -> memref<80x128xf32, #tpu.memory_space<vmem>>
      %dma_wait3A_189 = arith.constant 0 : i32
      %dma_wait3A_190 = tpu.memref_slice %arg4[%add3A_121, %dma_wait3A_189] : memref<30720x128xf32, #tpu.memory_space<hbm>> -> memref<80x128xf32, #tpu.memory_space<hbm>>
      %dma_wait3A_191 = arith.constant 0 : i32
      %dma_wait3A_192 = tpu.memref_slice %arg4[%add3A_121, %dma_wait3A_191] : memref<30720x128xf32, #tpu.memory_space<hbm>> -> memref<80x128xf32, #tpu.memory_space<hbm>>
      %dma_wait3A_193 = arith.constant 0 : i32
      %dma_wait3A_194 = arith.constant 0 : i32
      %dma_wait3A_195 = tpu.memref_slice %arg6[%dma_wait3A_184, %dma_wait3A_193, %dma_wait3A_194] : memref<4x80x128xf32, #tpu.memory_space<vmem>> -> memref<1x80x128xf32, #tpu.memory_space<vmem>>
      %dma_wait3A_196 = tpu.memref_squeeze %dma_wait3A_195 : memref<1x80x128xf32, #tpu.memory_space<vmem>> -> memref<80x128xf32, #tpu.memory_space<vmem>>
      tpu.wait_dma2 semaphore(%arg9 : memref<!tpu.dma_semaphore, #tpu.memory_space<semaphore_mem>>) src(%dma_wait3A_196 : memref<80x128xf32, #tpu.memory_space<vmem>>) dst(%dma_wait3A_192 : memref<80x128xf32, #tpu.memory_space<hbm>>)
      %dma_wait3A_197 = arith.constant 2 : i32
      %dma_wait3A_198 = arith.constant 0 : i32
      %dma_wait3A_199 = arith.constant 0 : i32
      %dma_wait3A_200 = tpu.memref_slice %arg6[%dma_wait3A_197, %dma_wait3A_198, %dma_wait3A_199] : memref<4x80x128xf32, #tpu.memory_space<vmem>> -> memref<1x80x128xf32, #tpu.memory_space<vmem>>
      %dma_wait3A_201 = tpu.memref_squeeze %dma_wait3A_200 : memref<1x80x128xf32, #tpu.memory_space<vmem>> -> memref<80x128xf32, #tpu.memory_space<vmem>>
      %dma_wait3A_202 = arith.constant 0 : i32
      %dma_wait3A_203 = tpu.memref_slice %arg4[%add3A_139, %dma_wait3A_202] : memref<30720x128xf32, #tpu.memory_space<hbm>> -> memref<80x128xf32, #tpu.memory_space<hbm>>
      %dma_wait3A_204 = arith.constant 0 : i32
      %dma_wait3A_205 = tpu.memref_slice %arg4[%add3A_139, %dma_wait3A_204] : memref<30720x128xf32, #tpu.memory_space<hbm>> -> memref<80x128xf32, #tpu.memory_space<hbm>>
      %dma_wait3A_206 = arith.constant 0 : i32
      %dma_wait3A_207 = arith.constant 0 : i32
      %dma_wait3A_208 = tpu.memref_slice %arg6[%dma_wait3A_197, %dma_wait3A_206, %dma_wait3A_207] : memref<4x80x128xf32, #tpu.memory_space<vmem>> -> memref<1x80x128xf32, #tpu.memory_space<vmem>>
      %dma_wait3A_209 = tpu.memref_squeeze %dma_wait3A_208 : memref<1x80x128xf32, #tpu.memory_space<vmem>> -> memref<80x128xf32, #tpu.memory_space<vmem>>
      tpu.wait_dma2 semaphore(%arg9 : memref<!tpu.dma_semaphore, #tpu.memory_space<semaphore_mem>>) src(%dma_wait3A_209 : memref<80x128xf32, #tpu.memory_space<vmem>>) dst(%dma_wait3A_205 : memref<80x128xf32, #tpu.memory_space<hbm>>)
      %dma_wait3A_210 = arith.constant 3 : i32
      %dma_wait3A_211 = arith.constant 0 : i32
      %dma_wait3A_212 = arith.constant 0 : i32
      %dma_wait3A_213 = tpu.memref_slice %arg6[%dma_wait3A_210, %dma_wait3A_211, %dma_wait3A_212] : memref<4x80x128xf32, #tpu.memory_space<vmem>> -> memref<1x80x128xf32, #tpu.memory_space<vmem>>
      %dma_wait3A_214 = tpu.memref_squeeze %dma_wait3A_213 : memref<1x80x128xf32, #tpu.memory_space<vmem>> -> memref<80x128xf32, #tpu.memory_space<vmem>>
      %dma_wait3A_215 = arith.constant 0 : i32
      %dma_wait3A_216 = tpu.memref_slice %arg4[%add3A_157, %dma_wait3A_215] : memref<30720x128xf32, #tpu.memory_space<hbm>> -> memref<80x128xf32, #tpu.memory_space<hbm>>
      %dma_wait3A_217 = arith.constant 0 : i32
      %dma_wait3A_218 = tpu.memref_slice %arg4[%add3A_157, %dma_wait3A_217] : memref<30720x128xf32, #tpu.memory_space<hbm>> -> memref<80x128xf32, #tpu.memory_space<hbm>>
      %dma_wait3A_219 = arith.constant 0 : i32
      %dma_wait3A_220 = arith.constant 0 : i32
      %dma_wait3A_221 = tpu.memref_slice %arg6[%dma_wait3A_210, %dma_wait3A_219, %dma_wait3A_220] : memref<4x80x128xf32, #tpu.memory_space<vmem>> -> memref<1x80x128xf32, #tpu.memory_space<vmem>>
      %dma_wait3A_222 = tpu.memref_squeeze %dma_wait3A_221 : memref<1x80x128xf32, #tpu.memory_space<vmem>> -> memref<80x128xf32, #tpu.memory_space<vmem>>
      tpu.wait_dma2 semaphore(%arg9 : memref<!tpu.dma_semaphore, #tpu.memory_space<semaphore_mem>>) src(%dma_wait3A_222 : memref<80x128xf32, #tpu.memory_space<vmem>>) dst(%dma_wait3A_218 : memref<80x128xf32, #tpu.memory_space<hbm>>)
    }
    %scan3A_9 = arith.constant 3 : i32
    return
  }
}

module attributes {stable_mosaic.version = 14 : i64} {
  func.func @_proj_first(%arg0: i32, %arg1: memref<1x1024x128xf32, #tpu.memory_space<vmem>>, %arg2: memref<1000x64xf32, #tpu.memory_space<vmem>>, %arg3: memref<1000x1xf32, #tpu.memory_space<vmem>>, %arg4: memref<1x1000x1024xf32, #tpu.memory_space<vmem>>) attributes {dimension_semantics = [#tpu.dimension_semantics<arbitrary>], iteration_bounds = array<i64: 5>, scalar_prefetch = 0 : i64, scratch_operands = 0 : i64, tpu.core_type = #tpu.core_type<tc>, window_params = [{transform_indices = @transform_0, window_bounds = array<i64: 1, 1024, 128>}, {pipeline_mode = #tpu.pipeline_mode<synchronous>, transform_indices = @transform_1, window_bounds = array<i64: 1000, 64>}, {pipeline_mode = #tpu.pipeline_mode<synchronous>, transform_indices = @transform_2, window_bounds = array<i64: 1000, 1>}, {transform_indices = @transform_3, window_bounds = array<i64: 1, 1000, 1024>}]} {
    %get3A = arith.constant 0 : index
    %get3A_0 = arith.constant 0 : index
    %get3A_1 = arith.constant 0 : index
    %get3A_2 = vector.load %arg1[%get3A, %get3A_0, %get3A_1] : memref<1x1024x128xf32, #tpu.memory_space<vmem>>, vector<1x1024x128xf32>
    %get3A_3 = vector.shape_cast %get3A_2 : vector<1x1024x128xf32> to vector<1024x128xf32>
    %slice3A = vector.extract_strided_slice %get3A_3 {offsets = [0, 0], sizes = [1024, 64], strides = [1, 1]} : vector<1024x128xf32> to vector<1024x64xf32>
    %get3A_4 = arith.constant 0 : index
    %get3A_5 = arith.constant 0 : index
    %get3A_6 = vector.load %arg2[%get3A_4, %get3A_5] : memref<1000x64xf32, #tpu.memory_space<vmem>>, vector<1000x64xf32>
    %dot_general3A = arith.constant dense<0.000000e+00> : vector<1000x1024xf32>
    %dot_general3A_7 = tpu.matmul %get3A_6, %slice3A, %dot_general3A {dimension_numbers = #tpu.dot_dimension_numbers<[1], [1], [0], [0], [0, 0, 1, 0], [], []>, transpose_lhs_hint = false} : vector<1000x64xf32>, vector<1024x64xf32>, vector<1000x1024xf32> -> vector<1000x1024xf32>
    %get3A_8 = arith.constant 0 : index
    %get3A_9 = arith.constant 0 : index
    %get3A_10 = vector.load %arg3[%get3A_8, %get3A_9] : memref<1000x1xf32, #tpu.memory_space<vmem>>, vector<1000x1xf32>
    %add3A = vector.broadcast %get3A_10 : vector<1000x1xf32> to vector<1000x1024xf32>
    %add3A_11 = arith.addf %dot_general3A_7, %add3A : vector<1000x1024xf32>
    %swap3A = arith.constant 0 : index
    %swap3A_12 = arith.constant 0 : index
    %swap3A_13 = arith.constant 0 : index
    %swap3A_14 = vector.load %arg4[%swap3A, %swap3A_12, %swap3A_13] : memref<1x1000x1024xf32, #tpu.memory_space<vmem>>, vector<1x1000x1024xf32>
    %swap3A_15 = vector.shape_cast %swap3A_14 : vector<1x1000x1024xf32> to vector<1000x1024xf32>
    %swap3A_16 = vector.shape_cast %add3A_11 : vector<1000x1024xf32> to vector<1x1000x1024xf32>
    tpu.vector_store %arg4[%swap3A, %swap3A_12, %swap3A_13], %swap3A_16 {strides = array<i32>} : memref<1x1000x1024xf32, #tpu.memory_space<vmem>>, vector<1x1000x1024xf32>,
    return
  }
  func.func @transform_0(%arg0: i32) -> (i32, i32, i32) {
    %c0_i32 = arith.constant 0 : i32
    %c0_i32_0 = arith.constant 0 : i32
    %c0_i32_1 = arith.constant 0 : i32
    return %arg0, %c0_i32, %c0_i32_0 : i32, i32, i32
  }
  func.func @transform_1(%arg0: i32) -> (i32, i32) {
    %c0_i32 = arith.constant 0 : i32
    %c0_i32_0 = arith.constant 0 : i32
    %c0_i32_1 = arith.constant 0 : i32
    return %c0_i32, %c0_i32_0 : i32, i32
  }
  func.func @transform_2(%arg0: i32) -> (i32, i32) {
    %c0_i32 = arith.constant 0 : i32
    %c0_i32_0 = arith.constant 0 : i32
    %c0_i32_1 = arith.constant 0 : i32
    return %c0_i32, %c0_i32_0 : i32, i32
  }
  func.func @transform_3(%arg0: i32) -> (i32, i32, i32) {
    %add3A = arith.constant 0 : i32
    %add3A_0 = arith.addi %add3A, %arg0 : i32
    %c0_i32 = arith.constant 0 : i32
    %c0_i32_1 = arith.constant 0 : i32
    %c0_i32_2 = arith.constant 0 : i32
    return %add3A_0, %c0_i32, %c0_i32_1 : i32, i32, i32
  }
}

module attributes {stable_mosaic.version = 14 : i64} {
  func.func @_proj_next(%arg0: i32, %arg1: memref<1x1024x128xf32, #tpu.memory_space<vmem>>, %arg2: memref<1000x64xf32, #tpu.memory_space<vmem>>, %arg3: memref<1000x1xf32, #tpu.memory_space<vmem>>, %arg4: memref<50x1000x1024xf32, #tpu.memory_space<hbm>>, %arg5: memref<1x1000x1024xf32, #tpu.memory_space<vmem>>) attributes {dimension_semantics = [#tpu.dimension_semantics<arbitrary>], iteration_bounds = array<i64: 15>, scalar_prefetch = 0 : i64, scratch_operands = 0 : i64, tpu.core_type = #tpu.core_type<tc>, window_params = [{transform_indices = @transform_0, window_bounds = array<i64: 1, 1024, 128>}, {pipeline_mode = #tpu.pipeline_mode<synchronous>, transform_indices = @transform_1, window_bounds = array<i64: 1000, 64>}, {pipeline_mode = #tpu.pipeline_mode<synchronous>, transform_indices = @transform_2, window_bounds = array<i64: 1000, 1>}, {}, {transform_indices = @transform_4, window_bounds = array<i64: 1, 1000, 1024>}]} {
    %get3A = arith.constant 0 : index
    %get3A_0 = arith.constant 0 : index
    %get3A_1 = arith.constant 0 : index
    %get3A_2 = vector.load %arg1[%get3A, %get3A_0, %get3A_1] : memref<1x1024x128xf32, #tpu.memory_space<vmem>>, vector<1x1024x128xf32>
    %get3A_3 = vector.shape_cast %get3A_2 : vector<1x1024x128xf32> to vector<1024x128xf32>
    %slice3A = vector.extract_strided_slice %get3A_3 {offsets = [0, 0], sizes = [1024, 64], strides = [1, 1]} : vector<1024x128xf32> to vector<1024x64xf32>
    %get3A_4 = arith.constant 0 : index
    %get3A_5 = arith.constant 0 : index
    %get3A_6 = vector.load %arg2[%get3A_4, %get3A_5] : memref<1000x64xf32, #tpu.memory_space<vmem>>, vector<1000x64xf32>
    %dot_general3A = arith.constant dense<0.000000e+00> : vector<1000x1024xf32>
    %dot_general3A_7 = tpu.matmul %get3A_6, %slice3A, %dot_general3A {dimension_numbers = #tpu.dot_dimension_numbers<[1], [1], [0], [0], [0, 0, 1, 0], [], []>, transpose_lhs_hint = false} : vector<1000x64xf32>, vector<1024x64xf32>, vector<1000x1024xf32> -> vector<1000x1024xf32>
    %get3A_8 = arith.constant 0 : index
    %get3A_9 = arith.constant 0 : index
    %get3A_10 = vector.load %arg3[%get3A_8, %get3A_9] : memref<1000x1xf32, #tpu.memory_space<vmem>>, vector<1000x1xf32>
    %add3A = vector.broadcast %get3A_10 : vector<1000x1xf32> to vector<1000x1024xf32>
    %add3A_11 = arith.addf %dot_general3A_7, %add3A : vector<1000x1024xf32>
    %swap3A = arith.constant 0 : index
    %swap3A_12 = arith.constant 0 : index
    %swap3A_13 = arith.constant 0 : index
    %swap3A_14 = vector.load %arg5[%swap3A, %swap3A_12, %swap3A_13] : memref<1x1000x1024xf32, #tpu.memory_space<vmem>>, vector<1x1000x1024xf32>
    %swap3A_15 = vector.shape_cast %swap3A_14 : vector<1x1000x1024xf32> to vector<1000x1024xf32>
    %swap3A_16 = vector.shape_cast %add3A_11 : vector<1000x1024xf32> to vector<1x1000x1024xf32>
    tpu.vector_store %arg5[%swap3A, %swap3A_12, %swap3A_13], %swap3A_16 {strides = array<i32>} : memref<1x1000x1024xf32, #tpu.memory_space<vmem>>, vector<1x1000x1024xf32>,
    return
  }
  func.func @transform_0(%arg0: i32) -> (i32, i32, i32) {
    %c0_i32 = arith.constant 0 : i32
    %c0_i32_0 = arith.constant 0 : i32
    %c0_i32_1 = arith.constant 0 : i32
    return %arg0, %c0_i32, %c0_i32_0 : i32, i32, i32
  }
  func.func @transform_1(%arg0: i32) -> (i32, i32) {
    %c0_i32 = arith.constant 0 : i32
    %c0_i32_0 = arith.constant 0 : i32
    %c0_i32_1 = arith.constant 0 : i32
    return %c0_i32, %c0_i32_0 : i32, i32
  }
  func.func @transform_2(%arg0: i32) -> (i32, i32) {
    %c0_i32 = arith.constant 0 : i32
    %c0_i32_0 = arith.constant 0 : i32
    %c0_i32_1 = arith.constant 0 : i32
    return %c0_i32, %c0_i32_0 : i32, i32
  }
  func.func @transform_4(%arg0: i32) -> (i32, i32, i32) {
    %add3A = arith.constant 5 : i32
    %add3A_0 = arith.addi %add3A, %arg0 : i32
    %c0_i32 = arith.constant 0 : i32
    %c0_i32_1 = arith.constant 0 : i32
    %c0_i32_2 = arith.constant 0 : i32
    return %add3A_0, %c0_i32, %c0_i32_1 : i32, i32, i32
  }
}

module attributes {stable_mosaic.version = 14 : i64} {
  func.func @_proj_next(%arg0: i32, %arg1: memref<1x1024x128xf32, #tpu.memory_space<vmem>>, %arg2: memref<1000x64xf32, #tpu.memory_space<vmem>>, %arg3: memref<1000x1xf32, #tpu.memory_space<vmem>>, %arg4: memref<50x1000x1024xf32, #tpu.memory_space<hbm>>, %arg5: memref<1x1000x1024xf32, #tpu.memory_space<vmem>>) attributes {dimension_semantics = [#tpu.dimension_semantics<arbitrary>], iteration_bounds = array<i64: 30>, scalar_prefetch = 0 : i64, scratch_operands = 0 : i64, tpu.core_type = #tpu.core_type<tc>, window_params = [{transform_indices = @transform_0, window_bounds = array<i64: 1, 1024, 128>}, {pipeline_mode = #tpu.pipeline_mode<synchronous>, transform_indices = @transform_1, window_bounds = array<i64: 1000, 64>}, {pipeline_mode = #tpu.pipeline_mode<synchronous>, transform_indices = @transform_2, window_bounds = array<i64: 1000, 1>}, {}, {transform_indices = @transform_4, window_bounds = array<i64: 1, 1000, 1024>}]} {
    %get3A = arith.constant 0 : index
    %get3A_0 = arith.constant 0 : index
    %get3A_1 = arith.constant 0 : index
    %get3A_2 = vector.load %arg1[%get3A, %get3A_0, %get3A_1] : memref<1x1024x128xf32, #tpu.memory_space<vmem>>, vector<1x1024x128xf32>
    %get3A_3 = vector.shape_cast %get3A_2 : vector<1x1024x128xf32> to vector<1024x128xf32>
    %slice3A = vector.extract_strided_slice %get3A_3 {offsets = [0, 0], sizes = [1024, 64], strides = [1, 1]} : vector<1024x128xf32> to vector<1024x64xf32>
    %get3A_4 = arith.constant 0 : index
    %get3A_5 = arith.constant 0 : index
    %get3A_6 = vector.load %arg2[%get3A_4, %get3A_5] : memref<1000x64xf32, #tpu.memory_space<vmem>>, vector<1000x64xf32>
    %dot_general3A = arith.constant dense<0.000000e+00> : vector<1000x1024xf32>
    %dot_general3A_7 = tpu.matmul %get3A_6, %slice3A, %dot_general3A {dimension_numbers = #tpu.dot_dimension_numbers<[1], [1], [0], [0], [0, 0, 1, 0], [], []>, transpose_lhs_hint = false} : vector<1000x64xf32>, vector<1024x64xf32>, vector<1000x1024xf32> -> vector<1000x1024xf32>
    %get3A_8 = arith.constant 0 : index
    %get3A_9 = arith.constant 0 : index
    %get3A_10 = vector.load %arg3[%get3A_8, %get3A_9] : memref<1000x1xf32, #tpu.memory_space<vmem>>, vector<1000x1xf32>
    %add3A = vector.broadcast %get3A_10 : vector<1000x1xf32> to vector<1000x1024xf32>
    %add3A_11 = arith.addf %dot_general3A_7, %add3A : vector<1000x1024xf32>
    %swap3A = arith.constant 0 : index
    %swap3A_12 = arith.constant 0 : index
    %swap3A_13 = arith.constant 0 : index
    %swap3A_14 = vector.load %arg5[%swap3A, %swap3A_12, %swap3A_13] : memref<1x1000x1024xf32, #tpu.memory_space<vmem>>, vector<1x1000x1024xf32>
    %swap3A_15 = vector.shape_cast %swap3A_14 : vector<1x1000x1024xf32> to vector<1000x1024xf32>
    %swap3A_16 = vector.shape_cast %add3A_11 : vector<1000x1024xf32> to vector<1x1000x1024xf32>
    tpu.vector_store %arg5[%swap3A, %swap3A_12, %swap3A_13], %swap3A_16 {strides = array<i32>} : memref<1x1000x1024xf32, #tpu.memory_space<vmem>>, vector<1x1000x1024xf32>,
    return
  }
  func.func @transform_0(%arg0: i32) -> (i32, i32, i32) {
    %c0_i32 = arith.constant 0 : i32
    %c0_i32_0 = arith.constant 0 : i32
    %c0_i32_1 = arith.constant 0 : i32
    return %arg0, %c0_i32, %c0_i32_0 : i32, i32, i32
  }
  func.func @transform_1(%arg0: i32) -> (i32, i32) {
    %c0_i32 = arith.constant 0 : i32
    %c0_i32_0 = arith.constant 0 : i32
    %c0_i32_1 = arith.constant 0 : i32
    return %c0_i32, %c0_i32_0 : i32, i32
  }
  func.func @transform_2(%arg0: i32) -> (i32, i32) {
    %c0_i32 = arith.constant 0 : i32
    %c0_i32_0 = arith.constant 0 : i32
    %c0_i32_1 = arith.constant 0 : i32
    return %c0_i32, %c0_i32_0 : i32, i32
  }
  func.func @transform_4(%arg0: i32) -> (i32, i32, i32) {
    %add3A = arith.constant 20 : i32
    %add3A_0 = arith.addi %add3A, %arg0 : i32
    %c0_i32 = arith.constant 0 : i32
    %c0_i32_1 = arith.constant 0 : i32
    %c0_i32_2 = arith.constant 0 : i32
    return %add3A_0, %c0_i32, %c0_i32_1 : i32, i32, i32
  }
}

</mosaic_0001>

<sc_bundles>
// kernel: kernel.11.cloned.1.call-start
scs
__scs_entry_jumppad:
0x0: {  	(pc) =	sbr.rel $0x88, $3  }
0x1: {  	(tag) =	ssettag $0x0;
	lr =	simm.s32 $0x1  }
0x2: {  	[smem:$0x3F9D] =	sst lr;
	_ =	strace $0xD0000000  }
0x3: {  	_ = 	snop  }
0x4: {  	_ = 	snop  }
0x5: {  	_ = 	snop  }
0x6: {  	_ = 	snop  }
0x7: {  	_ = 	snop  }
__scs_overlays_trampoline_lowered:
0x8: {  	[smem:$0x3FAC] =	sst s0  }
0x9: {  	[smem:$0x3FAD] =	sst s1  }
0xa: {  	[smem:$0x3FAE] =	sst s2  }
0xb: {  	[smem:$0x3FAF] =	sst s3  }
0xc: {  	[smem:$0x3FB0] =	sst s4  }
0xd: {  	[smem:$0x3FB1] =	sst s5  }
0xe: {  	[smem:$0x3FB2] =	sst s6  }
0xf: {  	[smem:$0x3FB3] =	sst s7  }
0x10: {  	[smem:$0x3FB4] =	sst s8  }
0x11: {  	[smem:$0x3FB5] =	sst s9;
	s0 =	simm.s32 @!p0 $0x0  }
0x12: {  	s1 =	sld [smem:$0x3F9B];
	s0 =	simm.s32 @p0 $0x1  }
0x13: {  	[smem:$0x3FB6] =	sst s0;
	s0 =	simm.s32 @!p1 $0x0  }
0x14: {  	s2 =	sld [smem:$0x3F9A];
	s0 =	simm.s32 @p1 $0x1  }
0x15: {  	[smem:$0x3FB7] =	sst s0;
	s0 =	simm.s32 @!p2 $0x0  }
0x16: {  	s3 =	sld [smem:$0x3FDB];
	s0 =	simm.s32 @p2 $0x1  }
0x17: {  	s4 =	simm.s32 $0x1BF5;
	[smem:$0x3FB9] =	sst s0  }
0x18: {  	s0 =	sld [smem:$0x3F9C];
	_ =	swait.ge [sflag:s4], $0x0  }
0x19: {  	s7 =	sld [smem:$0x3F9D]  }
0x1a: {  	s8 =	sadd.s32 $0xFFFFE003, lr  }
0x1b: {  	s9 =	sadd.s32 $0xFFFFFEF7, lr;
	s5 =	simm.s32 $0xFFFFFFFF;
	p2 =	slt.u32 s8, $0xFFFFF086  }
0x1c: {  	p1 =	slt.u32 s9, $0xF7A;
	s5 =	simm.s32 @!p2 $0x0  }
0x1d: {  	s5 =	simm.s32 @p1 $0x1;
	p0 =	seq.s32 s7, s2  }
0x1e: {  	s7 =	smul.u32 @!p0 $0xF7A, s2;
	p2 =	seq.s32 @!p0 s5, $0x0  }
0x1f: {  	s9 =	smul.u32 $0xF7A, s1;
	s8 =	simm.s32 @!p0 $0x1BF5;
	p2 =	por !p2, p0  }
0x20: {  	[sflag:s8] =	ssyncset.s32 @!p0 $0xFFFFF086;
	s6 =	sadd.s32 @!p0 s3, s7;
	s7 =	simm.s32 @!p0 $0x108  }
0x21: {  	s3 =	sadd.s32 s3, s9;
	s6 =	sadd.s32 @!p0 $0x88, s6;
	s7 =	simm.s32 @p2 $0x1082  }
0x22: {  	[simem:s7], [sflag:s8] =	dma.local @!p0 [hbm:s6], $0xF7A  }
0x23: {  	s9 =	sor.u32 $0xD0000000, s2;
	s6 =	simm.s32 $0x108;
	_ =	swait.ge @!p0 [sflag:s8], $0x0  }
0x24: {  	s3 =	sadd.s32 $0x88, s3;
	s6 =	simm.s32 @!p1 $0x1082;
	[sflag:s4] =	ssyncset.s32 $0xFFFFF086  }
0x25: {  	[simem:s6], [sflag:s4] =	dma.local [hbm:s3], $0xF7A  }
0x26: {  	[smem:$0x3F9D] =	sst s1;
	(tag) =	ssettag s2;
	_ =	strace s9  }
0x27: {  	s1 =	sld [smem:$0x3FAD]  }
0x28: {  	s2 =	sld [smem:$0x3FAE]  }
0x29: {  	s4 =	sld [smem:$0x3FB0]  }
0x2a: {  	p0 =	seq.s32 s5, $0x0;
	s5 =	sld [smem:$0x3FB1]  }
0x2b: {  	s6 =	sld [smem:$0x3FB2]  }
0x2c: {  	s7 =	sld [smem:$0x3FB3]  }
0x2d: {  	s3 =	simm.s32 $0x108;
	s8 =	sld [smem:$0x3FB4]  }
0x2e: {  	s3 =	simm.s32 @!p0 $0x1082;
	s9 =	sld [smem:$0x3FB5]  }
0x2f: {  	lr =	sadd.s32 s0, s3;
	s0 =	sld [smem:$0x3FAC]  }
0x30: {  	s3 =	sld [smem:$0x3FAF]  }
0x31: {  	[smem:$0x3FB8] =	sst s10  }
0x32: {  	s10 =	sld [smem:$0x3FB6];
	_ =	sdelay $0x3  }
0x33: {  	p0 =	seq.s32 s10, $0x1;
	s10 =	sld [smem:$0x3FB8];
	_ =	sdelay $0x3  }
0x34: {  	[smem:$0x3FB8] =	sst s10  }
0x35: {  	s10 =	sld [smem:$0x3FB7];
	_ =	sdelay $0x3  }
0x36: {  	p1 =	seq.s32 s10, $0x1;
	s10 =	sld [smem:$0x3FB8];
	_ =	sdelay $0x3  }
0x37: {  	[smem:$0x3FB8] =	sst s10  }
0x38: {  	s10 =	sld [smem:$0x3FB9]  }
0x39: {  	_ = 	snop;
	(pc) =	sbr.ind lr, $3  }
0x3a: {  	_ = 	snop  }
0x3b: {  	_ = 	snop  }
0x3c: {  	p2 =	seq.s32 s10, $0x1;
	s10 =	sld [smem:$0x3FB8]  }
0x3d: {  	_ =	shalt  }
0x3e: {  	_ =	shalt  }
0x3f: {  	_ =	shalt  }
0x40: {  	_ =	shalt  }
0x41: {  	_ =	shalt  }
0x42: {  	_ =	shalt  }
0x43: {  	_ =	shalt  }
0x44: {  	_ =	shalt  }
0x45: {  	_ =	shalt  }
0x46: {  	_ =	shalt  }
0x47: {  	_ =	shalt  }
0x48: {  	_ =	shalt  }
0x49: {  	_ =	shalt  }
0x4a: {  	_ =	shalt  }
0x4b: {  	_ =	shalt  }
0x4c: {  	_ =	shalt  }
0x4d: {  	_ =	shalt  }
0x4e: {  	_ =	shalt  }
0x4f: {  	_ =	shalt  }
0x50: {  	_ =	shalt  }
0x51: {  	_ =	shalt  }
0x52: {  	_ =	shalt  }
0x53: {  	_ =	shalt  }
0x54: {  	_ =	shalt  }
0x55: {  	_ =	shalt  }
0x56: {  	_ =	shalt  }
0x57: {  	_ =	shalt  }
0x58: {  	_ =	shalt  }
0x59: {  	_ =	shalt  }
0x5a: {  	_ =	shalt  }
0x5b: {  	_ =	shalt  }
0x5c: {  	_ =	shalt  }
0x5d: {  	_ =	shalt  }
0x5e: {  	_ =	shalt  }
0x5f: {  	_ =	shalt  }
0x60: {  	_ =	shalt  }
0x61: {  	_ =	shalt  }
0x62: {  	_ =	shalt  }
0x63: {  	_ =	shalt  }
0x64: {  	_ =	shalt  }
0x65: {  	_ =	shalt  }
0x66: {  	_ =	shalt  }
0x67: {  	_ =	shalt  }
0x68: {  	_ =	shalt  }
0x69: {  	_ =	shalt  }
0x6a: {  	_ =	shalt  }
0x6b: {  	_ =	shalt  }
0x6c: {  	_ =	shalt  }
0x6d: {  	_ =	shalt  }
0x6e: {  	_ =	shalt  }
0x6f: {  	_ =	shalt  }
0x70: {  	_ =	shalt  }
0x71: {  	_ =	shalt  }
0x72: {  	_ =	shalt  }
0x73: {  	_ =	shalt  }
0x74: {  	_ =	shalt  }
0x75: {  	_ =	shalt  }
0x76: {  	_ =	shalt  }
0x77: {  	_ =	shalt  }
0x78: {  	_ =	shalt  }
0x79: {  	_ =	shalt  }
0x7a: {  	_ =	shalt  }
0x7b: {  	_ =	shalt  }
0x7c: {  	_ =	shalt  }
0x7d: {  	_ =	shalt  }
0x7e: {  	_ =	shalt  }
0x7f: {  	_ =	shalt  }
0x80: {  	_ =	shalt  }
0x81: {  	_ =	shalt  }
0x82: {  	_ =	shalt  }
0x83: {  	_ =	shalt  }
0x84: {  	_ =	shalt  }
0x85: {  	_ =	shalt  }
0x86: {  	_ =	shalt  }
0x87: {  	_ =	shalt  }
.Lfunc_end0:
.L_simem_size_0:
called_computation.1_lowered:
.L_overlay_start_0:
0x88: {  	s2 =	sld [smem:$0x3FD9]  }
0x89: {  	s3 =	sld [smem:$0x3FFE];
	_ =	sdelay $0x1  }
0x8a: {  	s1 =	srdreg.scid  }
0x8b: {  	s0 =	sand.u32 $0x1, s1  }
0x8c: {  	s17 =	sshll.u32 s0, $0xA;
	s2 =	sadd.s32 s3, s2  }
0x8d: {  	s2 =	sadd.s32 s2, s17  }
0x8e: {  	[smem:$0x3FC4] =	sst s2  }
0x8f: {  	_ = 	snop  }
0x90: {  	(tm) =	ssettm $0x1  }
0x91: {  	s18 =	sld [smem:$0x3FFB];
	_ =	sdelay $0x3  }
0x92: {  	_ =	strace s18  }
0x93: {  	s2 =	sld [smem:$0x3FFC];
	_ =	sdelay $0x3  }
0x94: {  	_ =	strace s2  }
0x95: {  	s2 =	sld [smem:$0x3FFD];
	_ =	sdelay $0x3  }
0x96: {  	_ =	strace s2  }
0x97: {  	_ =	strace $0x8FFFFFFF  }
0x98: {  	s19 =	sld [smem:$0x3FDB];
	_ =	sdelay $0x1  }
0x99: {  	s20 =	simm.s32 $_scs_section_size  }
0x9a: {  	s4 =	simm.s32 $_size__tile_overlayer_lowered;
	s5 =	simm.s32 $_tile_overlayer_lowered  }
0x9b: {  	s6 =	simm.s32 $0x1BFF;
	s21 =	sshll.u32 s5, $0x1;
	s3 =	sadd.s32 s20, s19  }
0x9c: {  	s22 =	simm.s32 $0x0;
	s4 =	sshll.u32 s4, $0x1;
	s5 =	sadd.s32 s21, s3  }
0x9d: {  	[timem:s22], [sflag:s6] =	dma.local [hbm:s5], s4  }
0x9e: {  	_ =	swait.ge [sflag:s6], s4  }
0x9f: {  	s4 =	ssub.s32 $0x0, s4;
	[sflag:s6] =	ssyncset.done $0x0  }
0xa0: {  	[sflag:s6] =	ssyncadd.s32 s4;
	_ =	sdelay $0x1  }
0xa1: {  	s23 =	simm.s32 $0x1B8B  }
0xa2: {  	_ =	swait.ge [sflag:s23], $0x1  }
0xa3: {  	[sflag:s23] =	ssyncset.done $0x0  }
0xa4: {  	[sflag:s23] =	ssyncadd.s32 $0xFFFFFFFF  }
0xa5: {  	s4 =	sld [smem:$0x0]  }
0xa6: {  	s5 =	sand.u32 $0xFFFFFFFE, s1  }
0xa7: {  	p0 =	sne.s32 s1, s5  }
0xa8: {  	s5 =	sshll.u32 @p0 s5, $0xE  }
0xa9: {  	s5 =	sadd.s32 @p0 $0x11B8D, s5;
	s6 =	sshll.u32 @p0 s4, $0x11  }
0xaa: {  	s5 =	sor.u32 @p0 s6, s5  }
0xab: {  	[sflag:s5] =	ssyncadd.remote.s32 @p0 $0x1;
	_ =	sdelay $0x1  }
0xac: {  	s5 =	simm.s32 @p0 $0x1B8D  }
0xad: {  	_ =	swait.eq @p0 [sflag:s5], $0x1  }
0xae: {  	[sflag:s5] =	ssyncadd.s32 @p0 $0xFFFFFFFF  }
0xaf: {  	s6 =	sshll.u32 @!p0 s1, $0xE  }
0xb0: {  	s6 =	sor.u32 @!p0 $0x4000, s6;
	s5 =	simm.s32 @!p0 $0x1B8D  }
0xb1: {  	s4 =	sshll.u32 @!p0 s4, $0x11;
	s6 =	sadd.s32 @!p0 $0x11B8D, s6;
	_ =	swait.eq @!p0 [sflag:s5], $0x1  }
0xb2: {  	s4 =	sor.u32 @!p0 s4, s6;
	[sflag:s5] =	ssyncadd.s32 @!p0 $0xFFFFFFFF  }
0xb3: {  	s25 =	simm.s32 $0x1B8E;
	s24 =	sld [smem:$0x3FFE];
	[sflag:s4] =	ssyncadd.remote.s32 @!p0 $0x1  }
0xb4: {  	s26 =	simm.s32 $execute0_lowered;
	[smem:$0x3FD2] =	sst s25  }
0xb5: {  	s5 =	sshll.u32 s26, $0x1;
	_ =	strace $0x80000049;
	[dreg:$0x1] =	wrdreg $0xFFFFFFFF  }
0xb6: {  	s28 =	simm.s32 $_size_execute0_lowered;
	s3 =	sadd.s32 s3, s5;
	[dreg:$0x0] =	wrdreg $0x0  }
0xb7: {  	s5 =	sshll.u32 s28, $0x1;
	[dreg:$0x2] =	wrdreg s3  }
0xb8: {  	[dreg:$0x3] =	wrdreg s5  }
0xb9: {  	[dreg:$0x4] =	wrdreg $0xC0  }
0xba: {  	_ =	task [dreg:s22], $0x5FFFF  }
0xbb: {  	[dreg:$0x1] =	wrdreg $0xFFFFFFFF  }
0xbc: {  	[dreg:$0x0] =	wrdreg $0x60  }
0xbd: {  	[dreg:$0x2] =	wrdreg s24  }
0xbe: {  	[dreg:$0x3] =	wrdreg $0x7A000  }
0xbf: {  	[dreg:$0x4] =	wrdreg $0xA  }
0xc0: {  	_ =	task.clear_ibuf [dreg:s22], $0x5FFFF;
	_ =	strace $0x90000049  }
0xc1: {  	s29 =	simm.s32 $0xA;
	_ =	strace $0x8000004B  }
0xc2: {  	_ =	swait.ge [sflag:s29], $0x1  }
0xc3: {  	[sflag:s29] =	ssyncadd.s32 $0xFFFFFFFF  }
0xc4: {  	_ =	strace $0x9000004B  }
0xc5: {  	_ =	sfence  }
0xc6: {  	s30 =	sld [smem:$0x0];
	_ =	sdelay $0x2  }
0xc7: {  	s31 =	sshll.u32 s1, $0xD;
	s1 =	sshrl.u32 s1, $0x2  }
0xc8: {  	s4 =	sand.u32 $0x4000, s31;
	s1 =	sadd.s32 s1, s30  }
0xc9: {  	s0 =	sor.u32 s4, s0;
	s1 =	sshll.u32 s1, $0x11  }
0xca: {  	s0 =	sor.u32 s1, s0  }
0xcb: {  	s0 =	sadd.s32 $0x8F2B, s0  }
0xcc: {  	[sflag:s0] =	ssyncadd.remote.s32 $0x1  }
0xcd: {  	_ =	sfence.sel $0xFFFF  }
0xce: {  	[dreg:$0x0] =	wrdreg $0xFFFFFFFF;
	(pc) =	sbr.abs _section_cstart, $3  }
0xcf: {  	[dreg:$0x1] =	wrdreg $0xFFFFFFFF  }
0xd0: {  	_ =	task.clear_ibuf [dreg:s22], $0x2FFFF;
	_ =	strace $0x9FFFFFFF  }
0xd1: {  	(tm) =	ssettm $0x7FFFFFFF  }
tec
execute0_lowered:
.L_overlay_start_1:
0x0: {  	(tag) =	ssettag $0x1  }
0x1: {  	s0 =	srdreg.scid;
	s3 =	rddreg [dreg:$0x0]  }
0x2: {  	s6 =	stileid.u32;
	s2 =	rddreg [dreg:$0x1];
	s1 =	simm.s32 $0x0  }
0x3: {  	s20 =	simm.s32 $0x3;
	s11 =	simm.s32 $0x50;
	s21 =	simm.s32 $0xA0  }
0x4: {  	s9 =	simm.s32 $0x5200;
	s4 =	sand.u32 $0x1, s0;
	s30 =	sshll.u32 s6, $0x1  }
0x5: {  	s10 =	simm.s32 $0x1;
	s5 =	sor.u32 s4, s30;
	s4 =	ssub.s32 $0x2, s4  }
0x6: {  	s16 =	simm.s32 $0x140;
	s17 =	simm.s32 $0x190;
	s8 =	sshrl.u32 s4, $0x1  }
0x7: {  	p1 =	por $0x0, $0x0;
	s0 =	rddreg [dreg:$0x2];
	s31 =	ssub.s32 s4, s8  }
0x8: {  	[smem:$0x7FF] =	sst s1;
	s18 =	sadd.s32 $0x1600, s3;
	s15 =	smax.u32 s31, $0x1  }
0x9: {  	p0 =	sne.s32 s6, $0x0;
	s7 =	smul.u32 $0x3C, s5;
	s25 =	sadd.s32 $0xFFFFFFFF, s15  }
0xa: {  	s6 =	simm.s32 $0x2;
	s5 =	smul.u32 $0x1E00, s5;
	p2 =	sne.s32 s25, $0x0  }
.Ltmp0:
0xb: {  	_ =	strace $0x8000004A;
	s22 =	sshrl.u32 @!p0 s2, $0x3;
	(pc) =	sbr.rel @!p2 .LBB2_3-.Ltmp0, $4  }
0xc: {  	s8 =	simm.s32 $0x2A00;
	s7 =	sadd.s32 s7, s3;
	s5 =	sadd.s32 s5, s3  }
0xd: {  	s19 =	sadd.s32 $0x5600, s7;
	s12 =	sadd.s32 $0x5E00, s5;
	s13 =	sadd.s32 $0x6300, s5  }
0xe: {  	s14 =	sadd.s32 $0x6800, s5;
	s3 =	sadd.s32 $0x6D00, s5;
	s4 =	sadd.s32 $0x7200, s5  }
0xf: {  	s5 =	sadd.s32 $0x7700, s5;
	s7 =	simm.s32 $0x200;
	s15 =	simm.s32 $0xF0  }
0x10: {  	s23 =	simm.s32 @!p0 $0x1C03;
	s24 =	simm.s32 @!p0 $0x3  }
0x11: {  	[spmem:s22], [sflag:s23] =	dma.local @!p0 [hbm:s18], $0x3E80  }
0x12: {  	_ =	swait.ge @!p0 [sflag:s24], $0x3E80  }
0x13: {  	[sflag:s24] =	ssyncset.done @!p0 $0x0  }
0x14: {  	[sflag:s24] =	ssyncadd.s32 @!p0 $0xFFFFC180  }
0x15: {  	[tilespmem:s1], [sflag:$0x3] =	stream.linear.gather [hbm4b:s19+s1], $0x1E0, $0x38;
	[tilespmem:$0x9940] =	vst v63  }
0x16: {  	_ =	swait.ge [sflag:s20], $0x1E0  }
0x17: {  	[sflag:s20] =	ssyncset.done $0x0  }
0x18: {  	[sflag:s20] =	ssyncadd.s32 $0xFFFFFE20  }
0x19: {  	[bflag:$0x0] =	sbarrier.arrive $0xFFFF  }
0x1a: {  	[tilespmem:s7], [sflag:$0x1] =	stream.indirect.gather [spmem:s2], $0x80, s1, s11, $0xb8;
	[tilespmem:$0x9940] =	vst v63  }
0x1b: {  	_ = 	snop  }
0x1c: {  	[tilespmem:s8], [sflag:$0x1] =	stream.indirect.gather [spmem:s2], $0x80, s11, s11, $0xb8;
	[tilespmem:$0x9940] =	vst v63  }
0x1d: {  	_ = 	snop  }
0x1e: {  	[tilespmem:s9], [sflag:$0x1] =	stream.indirect.gather [spmem:s2], $0x80, s21, s11, $0xb8;
	[tilespmem:$0x9940] =	vst v63  }
0x1f: {  	_ =	swait.ge [sflag:s10], $0x2800  }
0x20: {  	[sflag:s10] =	ssyncset.done $0x0  }
0x21: {  	[sflag:s10] =	ssyncadd.s32 $0xFFFFD800  }
0x22: {  	_ =	swait.ge [sflag:s10], $0x2800  }
0x23: {  	[sflag:s10] =	ssyncset.done $0x0  }
0x24: {  	[sflag:s10] =	ssyncadd.s32 $0xFFFFD800  }
0x25: {  	_ =	swait.ge [sflag:s10], $0x2800  }
0x26: {  	[sflag:s10] =	ssyncset.done $0x0  }
0x27: {  	[sflag:s10] =	ssyncadd.s32 $0xFFFFD800  }
0x28: {  	[hbm4b:s12+s1] =	stream.linear.scatter [tilespmem:s7], [sflag:$0x2], $0x2800, $0x38;
	[tilespmem:$0x9940] =	vst v63  }
0x29: {  	_ = 	snop  }
0x2a: {  	[hbm4b:s13+s1] =	stream.linear.scatter [tilespmem:s8], [sflag:$0x2], $0x2800, $0x38;
	[tilespmem:$0x9940] =	vst v63  }
0x2b: {  	_ = 	snop  }
0x2c: {  	[hbm4b:s14+s1] =	stream.linear.scatter [tilespmem:s9], [sflag:$0x2], $0x2800, $0x38;
	[tilespmem:$0x9940] =	vst v63  }
0x2d: {  	_ =	swait.ge [sflag:s6], $0x2800  }
0x2e: {  	[sflag:s6] =	ssyncset.done $0x0  }
0x2f: {  	[sflag:s6] =	ssyncadd.s32 $0xFFFFD800  }
0x30: {  	_ =	swait.ge [sflag:s6], $0x2800  }
0x31: {  	[sflag:s6] =	ssyncset.done $0x0  }
0x32: {  	[sflag:s6] =	ssyncadd.s32 $0xFFFFD800  }
0x33: {  	_ =	swait.ge [sflag:s6], $0x2800  }
0x34: {  	[sflag:s6] =	ssyncset.done $0x0  }
0x35: {  	[sflag:s6] =	ssyncadd.s32 $0xFFFFD800  }
0x36: {  	[tilespmem:s7], [sflag:$0x1] =	stream.indirect.gather [spmem:s2], $0x80, s15, s11, $0xb8;
	[tilespmem:$0x9940] =	vst v63  }
0x37: {  	_ = 	snop  }
0x38: {  	[tilespmem:s8], [sflag:$0x1] =	stream.indirect.gather [spmem:s2], $0x80, s16, s11, $0xb8;
	[tilespmem:$0x9940] =	vst v63  }
0x39: {  	_ = 	snop  }
0x3a: {  	[tilespmem:s9], [sflag:$0x1] =	stream.indirect.gather [spmem:s2], $0x80, s17, s11, $0xb8;
	[tilespmem:$0x9940] =	vst v63  }
0x3b: {  	_ =	swait.ge [sflag:s10], $0x2800  }
0x3c: {  	[sflag:s10] =	ssyncset.done $0x0  }
0x3d: {  	[sflag:s10] =	ssyncadd.s32 $0xFFFFD800  }
0x3e: {  	_ =	swait.ge [sflag:s10], $0x2800  }
0x3f: {  	[sflag:s10] =	ssyncset.done $0x0  }
0x40: {  	[sflag:s10] =	ssyncadd.s32 $0xFFFFD800  }
0x41: {  	_ =	swait.ge [sflag:s10], $0x2800  }
0x42: {  	[sflag:s10] =	ssyncset.done $0x0  }
0x43: {  	[sflag:s10] =	ssyncadd.s32 $0xFFFFD800  }
0x44: {  	[hbm4b:s3+s1] =	stream.linear.scatter [tilespmem:s7], [sflag:$0x2], $0x2800, $0x38;
	[tilespmem:$0x9940] =	vst v63  }
0x45: {  	_ = 	snop  }
0x46: {  	[hbm4b:s4+s1] =	stream.linear.scatter [tilespmem:s8], [sflag:$0x2], $0x2800, $0x38;
	[tilespmem:$0x9940] =	vst v63  }
0x47: {  	_ = 	snop  }
0x48: {  	[hbm4b:s5+s1] =	stream.linear.scatter [tilespmem:s9], [sflag:$0x2], $0x2800, $0x38;
	[tilespmem:$0x9940] =	vst v63  }
0x49: {  	_ =	swait.ge [sflag:s6], $0x2800  }
0x4a: {  	s25 =	sadd.s32 $0xFFFFFFFF, s25;
	[sflag:s6] =	ssyncset.done $0x0  }
0x4b: {  	p2 =	sne.s32 s25, $0x0;
	[sflag:s6] =	ssyncadd.s32 $0xFFFFD800  }
.Ltmp1:
0x4c: {  	_ =	swait.ge [sflag:s6], $0x2800;
	(pc) =	sbr.rel @!p2 .LBB2_3-.Ltmp1, $4  }
0x4d: {  	[sflag:s6] =	ssyncset.done $0x0  }
0x4e: {  	[sflag:s6] =	ssyncadd.s32 $0xFFFFD800  }
0x4f: {  	_ =	swait.ge [sflag:s6], $0x2800  }
0x50: {  	p1 =	por $0x1, $0x1;
	[sflag:s6] =	ssyncset.done $0x0  }
.LBB2_2:
0x51: {  	[sflag:s6] =	ssyncadd.s32 $0xFFFFD800  }
0x52: {  	[spmem:s22], [sflag:s23] =	dma.local @!p0 [hbm:s18], $0x3E80  }
0x53: {  	s25 =	sadd.s32 $0xFFFFFFFF, s25;
	_ =	swait.ge @!p0 [sflag:s24], $0x3E80  }
0x54: {  	p2 =	sne.s32 s25, $0x0;
	[sflag:s24] =	ssyncset.done @!p0 $0x0  }
0x55: {  	[sflag:s24] =	ssyncadd.s32 @!p0 $0xFFFFC180  }
0x56: {  	[tilespmem:s1], [sflag:$0x3] =	stream.linear.gather [hbm4b:s19+s1], $0x1E0, $0x38;
	[tilespmem:$0x9940] =	vst v63  }
0x57: {  	_ =	swait.ge [sflag:s20], $0x1E0  }
0x58: {  	[sflag:s20] =	ssyncset.done $0x0  }
0x59: {  	[sflag:s20] =	ssyncadd.s32 $0xFFFFFE20  }
0x5a: {  	[bflag:$0x0] =	sbarrier.arrive $0xFFFF  }
0x5b: {  	[tilespmem:s7], [sflag:$0x1] =	stream.indirect.gather [spmem:s2], $0x80, s1, s11, $0xb8;
	[tilespmem:$0x9940] =	vst v63  }
0x5c: {  	_ = 	snop  }
0x5d: {  	[tilespmem:s8], [sflag:$0x1] =	stream.indirect.gather [spmem:s2], $0x80, s11, s11, $0xb8;
	[tilespmem:$0x9940] =	vst v63  }
0x5e: {  	_ = 	snop  }
0x5f: {  	[tilespmem:s9], [sflag:$0x1] =	stream.indirect.gather [spmem:s2], $0x80, s21, s11, $0xb8;
	[tilespmem:$0x9940] =	vst v63  }
0x60: {  	_ =	swait.ge [sflag:s10], $0x2800  }
0x61: {  	[sflag:s10] =	ssyncset.done $0x0  }
0x62: {  	[sflag:s10] =	ssyncadd.s32 $0xFFFFD800  }
0x63: {  	_ =	swait.ge [sflag:s10], $0x2800  }
0x64: {  	[sflag:s10] =	ssyncset.done $0x0  }
0x65: {  	[sflag:s10] =	ssyncadd.s32 $0xFFFFD800  }
0x66: {  	_ =	swait.ge [sflag:s10], $0x2800  }
0x67: {  	[sflag:s10] =	ssyncset.done $0x0  }
0x68: {  	[sflag:s10] =	ssyncadd.s32 $0xFFFFD800  }
0x69: {  	[hbm4b:s12+s1] =	stream.linear.scatter [tilespmem:s7], [sflag:$0x2], $0x2800, $0x38;
	[tilespmem:$0x9940] =	vst v63  }
0x6a: {  	_ = 	snop  }
0x6b: {  	[hbm4b:s13+s1] =	stream.linear.scatter [tilespmem:s8], [sflag:$0x2], $0x2800, $0x38;
	[tilespmem:$0x9940] =	vst v63  }
0x6c: {  	_ = 	snop  }
0x6d: {  	[hbm4b:s14+s1] =	stream.linear.scatter [tilespmem:s9], [sflag:$0x2], $0x2800, $0x38;
	[tilespmem:$0x9940] =	vst v63  }
0x6e: {  	_ =	swait.ge [sflag:s6], $0x2800  }
0x6f: {  	[sflag:s6] =	ssyncset.done $0x0  }
0x70: {  	[sflag:s6] =	ssyncadd.s32 $0xFFFFD800  }
0x71: {  	_ =	swait.ge [sflag:s6], $0x2800  }
0x72: {  	[sflag:s6] =	ssyncset.done $0x0  }
0x73: {  	[sflag:s6] =	ssyncadd.s32 $0xFFFFD800  }
0x74: {  	_ =	swait.ge [sflag:s6], $0x2800  }
0x75: {  	[sflag:s6] =	ssyncset.done $0x0  }
0x76: {  	[sflag:s6] =	ssyncadd.s32 $0xFFFFD800  }
0x77: {  	[tilespmem:s7], [sflag:$0x1] =	stream.indirect.gather [spmem:s2], $0x80, s15, s11, $0xb8;
	[tilespmem:$0x9940] =	vst v63  }
0x78: {  	_ = 	snop  }
0x79: {  	[tilespmem:s8], [sflag:$0x1] =	stream.indirect.gather [spmem:s2], $0x80, s16, s11, $0xb8;
	[tilespmem:$0x9940] =	vst v63  }
0x7a: {  	_ = 	snop  }
0x7b: {  	[tilespmem:s9], [sflag:$0x1] =	stream.indirect.gather [spmem:s2], $0x80, s17, s11, $0xb8;
	[tilespmem:$0x9940] =	vst v63  }
0x7c: {  	_ =	swait.ge [sflag:s10], $0x2800  }
0x7d: {  	[sflag:s10] =	ssyncset.done $0x0  }
0x7e: {  	[sflag:s10] =	ssyncadd.s32 $0xFFFFD800  }
0x7f: {  	_ =	swait.ge [sflag:s10], $0x2800  }
0x80: {  	[sflag:s10] =	ssyncset.done $0x0  }
0x81: {  	[sflag:s10] =	ssyncadd.s32 $0xFFFFD800  }
0x82: {  	_ =	swait.ge [sflag:s10], $0x2800  }
0x83: {  	[sflag:s10] =	ssyncset.done $0x0  }
0x84: {  	[sflag:s10] =	ssyncadd.s32 $0xFFFFD800  }
0x85: {  	[hbm4b:s3+s1] =	stream.linear.scatter [tilespmem:s7], [sflag:$0x2], $0x2800, $0x38;
	[tilespmem:$0x9940] =	vst v63  }
0x86: {  	_ = 	snop  }
0x87: {  	[hbm4b:s4+s1] =	stream.linear.scatter [tilespmem:s8], [sflag:$0x2], $0x2800, $0x38;
	[tilespmem:$0x9940] =	vst v63  }
0x88: {  	_ = 	snop  }
0x89: {  	[hbm4b:s5+s1] =	stream.linear.scatter [tilespmem:s9], [sflag:$0x2], $0x2800, $0x38;
	[tilespmem:$0x9940] =	vst v63  }
0x8a: {  	_ =	swait.ge [sflag:s6], $0x2800  }
0x8b: {  	[sflag:s6] =	ssyncset.done $0x0  }
0x8c: {  	[sflag:s6] =	ssyncadd.s32 $0xFFFFD800  }
.Ltmp2:
0x8d: {  	_ =	swait.ge [sflag:s6], $0x2800;
	(pc) =	sbr.rel @p2 .LBB2_2-.Ltmp2, $4  }
0x8e: {  	[sflag:s6] =	ssyncset.done $0x0  }
0x8f: {  	[sflag:s6] =	ssyncadd.s32 $0xFFFFD800  }
0x90: {  	_ =	swait.ge [sflag:s6], $0x2800  }
0x91: {  	[sflag:s6] =	ssyncset.done $0x0  }
.LBB2_3:
0x92: {  	s23 =	simm.s32 @!p0 $0x1C03;
	s24 =	simm.s32 @!p0 $0x3;
	[sflag:s6] =	ssyncadd.s32 @p1 $0xFFFFD800  }
0x93: {  	[spmem:s22], [sflag:s23] =	dma.local @!p0 [hbm:s18], $0x3E80  }
0x94: {  	_ =	swait.ge @!p0 [sflag:s24], $0x3E80  }
0x95: {  	[sflag:s24] =	ssyncset.done @!p0 $0x0  }
0x96: {  	[sflag:s24] =	ssyncadd.s32 @!p0 $0xFFFFC180  }
0x97: {  	[tilespmem:s1], [sflag:$0x3] =	stream.linear.gather [hbm4b:s19+s1], $0x1E0, $0x38;
	[tilespmem:$0x9940] =	vst v63  }
0x98: {  	_ =	swait.ge [sflag:s20], $0x1E0  }
0x99: {  	[sflag:s20] =	ssyncset.done $0x0  }
0x9a: {  	[sflag:s20] =	ssyncadd.s32 $0xFFFFFE20  }
0x9b: {  	[bflag:$0x0] =	sbarrier.arrive $0xFFFF  }
0x9c: {  	[tilespmem:s7], [sflag:$0x1] =	stream.indirect.gather [spmem:s2], $0x80, s1, s11, $0xb8;
	[tilespmem:$0x9940] =	vst v63  }
0x9d: {  	_ = 	snop  }
0x9e: {  	[tilespmem:s8], [sflag:$0x1] =	stream.indirect.gather [spmem:s2], $0x80, s11, s11, $0xb8;
	[tilespmem:$0x9940] =	vst v63  }
0x9f: {  	_ = 	snop  }
0xa0: {  	[tilespmem:s9], [sflag:$0x1] =	stream.indirect.gather [spmem:s2], $0x80, s21, s11, $0xb8;
	[tilespmem:$0x9940] =	vst v63  }
0xa1: {  	_ =	swait.ge [sflag:s10], $0x2800  }
0xa2: {  	[sflag:s10] =	ssyncset.done $0x0  }
0xa3: {  	[sflag:s10] =	ssyncadd.s32 $0xFFFFD800  }
0xa4: {  	_ =	swait.ge [sflag:s10], $0x2800  }
0xa5: {  	[sflag:s10] =	ssyncset.done $0x0  }
0xa6: {  	[sflag:s10] =	ssyncadd.s32 $0xFFFFD800  }
0xa7: {  	_ =	swait.ge [sflag:s10], $0x2800  }
0xa8: {  	[sflag:s10] =	ssyncset.done $0x0  }
0xa9: {  	[sflag:s10] =	ssyncadd.s32 $0xFFFFD800  }
0xaa: {  	[hbm4b:s12+s1] =	stream.linear.scatter [tilespmem:s7], [sflag:$0x2], $0x2800, $0x38;
	[tilespmem:$0x9940] =	vst v63  }
0xab: {  	_ = 	snop  }
0xac: {  	[hbm4b:s13+s1] =	stream.linear.scatter [tilespmem:s8], [sflag:$0x2], $0x2800, $0x38;
	[tilespmem:$0x9940] =	vst v63  }
0xad: {  	_ = 	snop  }
0xae: {  	[hbm4b:s14+s1] =	stream.linear.scatter [tilespmem:s9], [sflag:$0x2], $0x2800, $0x38;
	[tilespmem:$0x9940] =	vst v63  }
0xaf: {  	_ =	swait.ge [sflag:s6], $0x2800  }
0xb0: {  	[sflag:s6] =	ssyncset.done $0x0  }
0xb1: {  	[sflag:s6] =	ssyncadd.s32 $0xFFFFD800  }
0xb2: {  	_ =	swait.ge [sflag:s6], $0x2800  }
0xb3: {  	[sflag:s6] =	ssyncset.done $0x0  }
0xb4: {  	[sflag:s6] =	ssyncadd.s32 $0xFFFFD800  }
0xb5: {  	_ =	swait.ge [sflag:s6], $0x2800  }
0xb6: {  	[sflag:s6] =	ssyncset.done $0x0  }
0xb7: {  	[sflag:s6] =	ssyncadd.s32 $0xFFFFD800  }
0xb8: {  	[tilespmem:s7], [sflag:$0x1] =	stream.indirect.gather [spmem:s2], $0x80, s15, s11, $0xb8;
	[tilespmem:$0x9940] =	vst v63  }
0xb9: {  	_ = 	snop  }
0xba: {  	[tilespmem:s8], [sflag:$0x1] =	stream.indirect.gather [spmem:s2], $0x80, s16, s11, $0xb8;
	[tilespmem:$0x9940] =	vst v63  }
0xbb: {  	_ = 	snop  }
0xbc: {  	[tilespmem:s9], [sflag:$0x1] =	stream.indirect.gather [spmem:s2], $0x80, s17, s11, $0xb8;
	[tilespmem:$0x9940] =	vst v63  }
0xbd: {  	_ =	swait.ge [sflag:s10], $0x2800  }
0xbe: {  	[sflag:s10] =	ssyncset.done $0x0  }
0xbf: {  	[sflag:s10] =	ssyncadd.s32 $0xFFFFD800  }
0xc0: {  	_ =	swait.ge [sflag:s10], $0x2800  }
0xc1: {  	[sflag:s10] =	ssyncset.done $0x0  }
0xc2: {  	[sflag:s10] =	ssyncadd.s32 $0xFFFFD800  }
0xc3: {  	_ =	swait.ge [sflag:s10], $0x2800  }
0xc4: {  	[sflag:s10] =	ssyncset.done $0x0  }
0xc5: {  	[sflag:s10] =	ssyncadd.s32 $0xFFFFD800  }
0xc6: {  	[hbm4b:s3+s1] =	stream.linear.scatter [tilespmem:s7], [sflag:$0x2], $0x2800, $0x38;
	[tilespmem:$0x9940] =	vst v63  }
0xc7: {  	_ = 	snop  }
0xc8: {  	[hbm4b:s4+s1] =	stream.linear.scatter [tilespmem:s8], [sflag:$0x2], $0x2800, $0x38;
	[tilespmem:$0x9940] =	vst v63  }
0xc9: {  	_ = 	snop  }
0xca: {  	[hbm4b:s5+s1] =	stream.linear.scatter [tilespmem:s9], [sflag:$0x2], $0x2800, $0x38;
	[tilespmem:$0x9940] =	vst v63  }
0xcb: {  	_ =	swait.ge [sflag:s6], $0x2800  }
0xcc: {  	[sflag:s6] =	ssyncset.done $0x0  }
0xcd: {  	[sflag:s6] =	ssyncadd.s32 $0xFFFFD800  }
0xce: {  	_ =	swait.ge [sflag:s6], $0x2800  }
0xcf: {  	[sflag:s6] =	ssyncset.done $0x0  }
0xd0: {  	[sflag:s6] =	ssyncadd.s32 $0xFFFFD800  }
0xd1: {  	_ =	swait.ge [sflag:s6], $0x2800  }
0xd2: {  	[sflag:s6] =	ssyncset.done $0x0  }
0xd3: {  	[sflag:s6] =	ssyncadd.s32 $0xFFFFD800  }
0xd4: {  	_ =	sfence.sel $0x180000  }
0xd5: {  	[bflag:$0x0] =	sbarrier.arrive $0xFFFF  }
0xd6: {  	_ =	strace $0x9000004A  }
0xd7: {  	s0 =	sadd.s32 @!p0 $0x100000, s0;
	[bflag:$0x2] =	sbarrier.arrive $0xFFFF  }
0xd8: {  	[sflag:s0] =	ssyncadd.tile.s32 @!p0 $0x1;
	_ =	shalt  }
.Lfunc_end2:
_tile_overlayer_lowered:
.L_overlay_start_2:
0xd9: {  	(tag) =	ssettag $0x2  }
0xda: {  	s0 =	rddreg [dreg:$0x0];
	s2 =	stileid.u32  }
0xdb: {  	s1 =	rddreg [dreg:$0x1];
	p0 =	sne.s32 s2, $0x0  }
0xdc: {  	s3 =	rddreg [dreg:$0x2];
	[bflag:$0x3] =	sbarrier.arrive $0xFFFF;
	s2 =	simm.s32 @!p0 $0x1C03  }
0xdd: {  	[timem:s3], [sflag:s2] =	dma.local @!p0 [hbm:s0], s1  }
0xde: {  	s0 =	simm.s32 @!p0 $0x3  }
0xdf: {  	_ =	swait.ge @!p0 [sflag:s0], s1  }
0xe0: {  	s1 =	ssub.s32 @!p0 $0x0, s1;
	[sflag:s0] =	ssyncset.done @!p0 $0x0  }
0xe1: {  	[sflag:s0] =	ssyncadd.s32 @!p0 s1  }
0xe2: {  	[bflag:$0x3] =	sbarrier.arrive $0xFFFF  }
0xe3: {  	_ =	shalt  }

// kernel: kernel.14.cloned.1.call-start
scs
__scs_entry_jumppad:
0x0: {  	(pc) =	sbr.rel $0x88, $3  }
0x1: {  	(tag) =	ssettag $0x0;
	lr =	simm.s32 $0x1  }
0x2: {  	[smem:$0x3F9D] =	sst lr;
	_ =	strace $0xD0000000  }
0x3: {  	_ = 	snop  }
0x4: {  	_ = 	snop  }
0x5: {  	_ = 	snop  }
0x6: {  	_ = 	snop  }
0x7: {  	_ = 	snop  }
__scs_overlays_trampoline_lowered:
0x8: {  	[smem:$0x3FAC] =	sst s0  }
0x9: {  	[smem:$0x3FAD] =	sst s1  }
0xa: {  	[smem:$0x3FAE] =	sst s2  }
0xb: {  	[smem:$0x3FAF] =	sst s3  }
0xc: {  	[smem:$0x3FB0] =	sst s4  }
0xd: {  	[smem:$0x3FB1] =	sst s5  }
0xe: {  	[smem:$0x3FB2] =	sst s6  }
0xf: {  	[smem:$0x3FB3] =	sst s7  }
0x10: {  	[smem:$0x3FB4] =	sst s8  }
0x11: {  	[smem:$0x3FB5] =	sst s9;
	s0 =	simm.s32 @!p0 $0x0  }
0x12: {  	s1 =	sld [smem:$0x3F9B];
	s0 =	simm.s32 @p0 $0x1  }
0x13: {  	[smem:$0x3FB6] =	sst s0;
	s0 =	simm.s32 @!p1 $0x0  }
0x14: {  	s2 =	sld [smem:$0x3F9A];
	s0 =	simm.s32 @p1 $0x1  }
0x15: {  	[smem:$0x3FB7] =	sst s0;
	s0 =	simm.s32 @!p2 $0x0  }
0x16: {  	s3 =	sld [smem:$0x3FDB];
	s0 =	simm.s32 @p2 $0x1  }
0x17: {  	s4 =	simm.s32 $0x1BF5;
	[smem:$0x3FB9] =	sst s0  }
0x18: {  	s0 =	sld [smem:$0x3F9C];
	_ =	swait.ge [sflag:s4], $0x0  }
0x19: {  	s7 =	sld [smem:$0x3F9D]  }
0x1a: {  	s8 =	sadd.s32 $0xFFFFE003, lr  }
0x1b: {  	s9 =	sadd.s32 $0xFFFFFEF7, lr;
	s5 =	simm.s32 $0xFFFFFFFF;
	p2 =	slt.u32 s8, $0xFFFFF086  }
0x1c: {  	p1 =	slt.u32 s9, $0xF7A;
	s5 =	simm.s32 @!p2 $0x0  }
0x1d: {  	s5 =	simm.s32 @p1 $0x1;
	p0 =	seq.s32 s7, s2  }
0x1e: {  	s7 =	smul.u32 @!p0 $0xF7A, s2;
	p2 =	seq.s32 @!p0 s5, $0x0  }
0x1f: {  	s9 =	smul.u32 $0xF7A, s1;
	s8 =	simm.s32 @!p0 $0x1BF5;
	p2 =	por !p2, p0  }
0x20: {  	[sflag:s8] =	ssyncset.s32 @!p0 $0xFFFFF086;
	s6 =	sadd.s32 @!p0 s3, s7;
	s7 =	simm.s32 @!p0 $0x108  }
0x21: {  	s3 =	sadd.s32 s3, s9;
	s6 =	sadd.s32 @!p0 $0x88, s6;
	s7 =	simm.s32 @p2 $0x1082  }
0x22: {  	[simem:s7], [sflag:s8] =	dma.local @!p0 [hbm:s6], $0xF7A  }
0x23: {  	s9 =	sor.u32 $0xD0000000, s2;
	s6 =	simm.s32 $0x108;
	_ =	swait.ge @!p0 [sflag:s8], $0x0  }
0x24: {  	s3 =	sadd.s32 $0x88, s3;
	s6 =	simm.s32 @!p1 $0x1082;
	[sflag:s4] =	ssyncset.s32 $0xFFFFF086  }
0x25: {  	[simem:s6], [sflag:s4] =	dma.local [hbm:s3], $0xF7A  }
0x26: {  	[smem:$0x3F9D] =	sst s1;
	(tag) =	ssettag s2;
	_ =	strace s9  }
0x27: {  	s1 =	sld [smem:$0x3FAD]  }
0x28: {  	s2 =	sld [smem:$0x3FAE]  }
0x29: {  	s4 =	sld [smem:$0x3FB0]  }
0x2a: {  	p0 =	seq.s32 s5, $0x0;
	s5 =	sld [smem:$0x3FB1]  }
0x2b: {  	s6 =	sld [smem:$0x3FB2]  }
0x2c: {  	s7 =	sld [smem:$0x3FB3]  }
0x2d: {  	s3 =	simm.s32 $0x108;
	s8 =	sld [smem:$0x3FB4]  }
0x2e: {  	s3 =	simm.s32 @!p0 $0x1082;
	s9 =	sld [smem:$0x3FB5]  }
0x2f: {  	lr =	sadd.s32 s0, s3;
	s0 =	sld [smem:$0x3FAC]  }
0x30: {  	s3 =	sld [smem:$0x3FAF]  }
0x31: {  	[smem:$0x3FB8] =	sst s10  }
0x32: {  	s10 =	sld [smem:$0x3FB6];
	_ =	sdelay $0x3  }
0x33: {  	p0 =	seq.s32 s10, $0x1;
	s10 =	sld [smem:$0x3FB8];
	_ =	sdelay $0x3  }
0x34: {  	[smem:$0x3FB8] =	sst s10  }
0x35: {  	s10 =	sld [smem:$0x3FB7];
	_ =	sdelay $0x3  }
0x36: {  	p1 =	seq.s32 s10, $0x1;
	s10 =	sld [smem:$0x3FB8];
	_ =	sdelay $0x3  }
0x37: {  	[smem:$0x3FB8] =	sst s10  }
0x38: {  	s10 =	sld [smem:$0x3FB9]  }
0x39: {  	_ = 	snop;
	(pc) =	sbr.ind lr, $3  }
0x3a: {  	_ = 	snop  }
0x3b: {  	_ = 	snop  }
0x3c: {  	p2 =	seq.s32 s10, $0x1;
	s10 =	sld [smem:$0x3FB8]  }
0x3d: {  	_ =	shalt  }
0x3e: {  	_ =	shalt  }
0x3f: {  	_ =	shalt  }
0x40: {  	_ =	shalt  }
0x41: {  	_ =	shalt  }
0x42: {  	_ =	shalt  }
0x43: {  	_ =	shalt  }
0x44: {  	_ =	shalt  }
0x45: {  	_ =	shalt  }
0x46: {  	_ =	shalt  }
0x47: {  	_ =	shalt  }
0x48: {  	_ =	shalt  }
0x49: {  	_ =	shalt  }
0x4a: {  	_ =	shalt  }
0x4b: {  	_ =	shalt  }
0x4c: {  	_ =	shalt  }
0x4d: {  	_ =	shalt  }
0x4e: {  	_ =	shalt  }
0x4f: {  	_ =	shalt  }
0x50: {  	_ =	shalt  }
0x51: {  	_ =	shalt  }
0x52: {  	_ =	shalt  }
0x53: {  	_ =	shalt  }
0x54: {  	_ =	shalt  }
0x55: {  	_ =	shalt  }
0x56: {  	_ =	shalt  }
0x57: {  	_ =	shalt  }
0x58: {  	_ =	shalt  }
0x59: {  	_ =	shalt  }
0x5a: {  	_ =	shalt  }
0x5b: {  	_ =	shalt  }
0x5c: {  	_ =	shalt  }
0x5d: {  	_ =	shalt  }
0x5e: {  	_ =	shalt  }
0x5f: {  	_ =	shalt  }
0x60: {  	_ =	shalt  }
0x61: {  	_ =	shalt  }
0x62: {  	_ =	shalt  }
0x63: {  	_ =	shalt  }
0x64: {  	_ =	shalt  }
0x65: {  	_ =	shalt  }
0x66: {  	_ =	shalt  }
0x67: {  	_ =	shalt  }
0x68: {  	_ =	shalt  }
0x69: {  	_ =	shalt  }
0x6a: {  	_ =	shalt  }
0x6b: {  	_ =	shalt  }
0x6c: {  	_ =	shalt  }
0x6d: {  	_ =	shalt  }
0x6e: {  	_ =	shalt  }
0x6f: {  	_ =	shalt  }
0x70: {  	_ =	shalt  }
0x71: {  	_ =	shalt  }
0x72: {  	_ =	shalt  }
0x73: {  	_ =	shalt  }
0x74: {  	_ =	shalt  }
0x75: {  	_ =	shalt  }
0x76: {  	_ =	shalt  }
0x77: {  	_ =	shalt  }
0x78: {  	_ =	shalt  }
0x79: {  	_ =	shalt  }
0x7a: {  	_ =	shalt  }
0x7b: {  	_ =	shalt  }
0x7c: {  	_ =	shalt  }
0x7d: {  	_ =	shalt  }
0x7e: {  	_ =	shalt  }
0x7f: {  	_ =	shalt  }
0x80: {  	_ =	shalt  }
0x81: {  	_ =	shalt  }
0x82: {  	_ =	shalt  }
0x83: {  	_ =	shalt  }
0x84: {  	_ =	shalt  }
0x85: {  	_ =	shalt  }
0x86: {  	_ =	shalt  }
0x87: {  	_ =	shalt  }
.Lfunc_end0:
.L_simem_size_0:
called_computation.2_lowered:
.L_overlay_start_0:
0x88: {  	s2 =	sld [smem:$0x3FD9]  }
0x89: {  	s3 =	sld [smem:$0x3FFE];
	_ =	sdelay $0x1  }
0x8a: {  	s1 =	srdreg.scid  }
0x8b: {  	s0 =	sand.u32 $0x1, s1  }
0x8c: {  	s17 =	sshll.u32 s0, $0xA;
	s2 =	sadd.s32 s3, s2  }
0x8d: {  	s2 =	sadd.s32 s2, s17  }
0x8e: {  	[smem:$0x3FC4] =	sst s2  }
0x8f: {  	_ = 	snop  }
0x90: {  	(tm) =	ssettm $0x1  }
0x91: {  	s18 =	sld [smem:$0x3FFB];
	_ =	sdelay $0x3  }
0x92: {  	_ =	strace s18  }
0x93: {  	s2 =	sld [smem:$0x3FFC];
	_ =	sdelay $0x3  }
0x94: {  	_ =	strace s2  }
0x95: {  	s2 =	sld [smem:$0x3FFD];
	_ =	sdelay $0x3  }
0x96: {  	_ =	strace s2  }
0x97: {  	_ =	strace $0x8FFFFFFF  }
0x98: {  	s19 =	sld [smem:$0x3FDB];
	_ =	sdelay $0x1  }
0x99: {  	s20 =	simm.s32 $_scs_section_size  }
0x9a: {  	s4 =	simm.s32 $_size__tile_overlayer_lowered;
	s5 =	simm.s32 $_tile_overlayer_lowered  }
0x9b: {  	s6 =	simm.s32 $0x1BFF;
	s21 =	sshll.u32 s5, $0x1;
	s3 =	sadd.s32 s20, s19  }
0x9c: {  	s22 =	simm.s32 $0x0;
	s4 =	sshll.u32 s4, $0x1;
	s5 =	sadd.s32 s21, s3  }
0x9d: {  	[timem:s22], [sflag:s6] =	dma.local [hbm:s5], s4  }
0x9e: {  	_ =	swait.ge [sflag:s6], s4  }
0x9f: {  	s4 =	ssub.s32 $0x0, s4;
	[sflag:s6] =	ssyncset.done $0x0  }
0xa0: {  	[sflag:s6] =	ssyncadd.s32 s4;
	_ =	sdelay $0x1  }
0xa1: {  	s23 =	simm.s32 $0x1B8B  }
0xa2: {  	_ =	swait.ge [sflag:s23], $0x1  }
0xa3: {  	[sflag:s23] =	ssyncset.done $0x0  }
0xa4: {  	[sflag:s23] =	ssyncadd.s32 $0xFFFFFFFF  }
0xa5: {  	s4 =	sld [smem:$0x0]  }
0xa6: {  	s5 =	sand.u32 $0xFFFFFFFE, s1  }
0xa7: {  	p0 =	sne.s32 s1, s5  }
0xa8: {  	s5 =	sshll.u32 @p0 s5, $0xE  }
0xa9: {  	s5 =	sadd.s32 @p0 $0x11B8D, s5;
	s6 =	sshll.u32 @p0 s4, $0x11  }
0xaa: {  	s5 =	sor.u32 @p0 s6, s5  }
0xab: {  	[sflag:s5] =	ssyncadd.remote.s32 @p0 $0x1;
	_ =	sdelay $0x1  }
0xac: {  	s5 =	simm.s32 @p0 $0x1B8D  }
0xad: {  	_ =	swait.eq @p0 [sflag:s5], $0x1  }
0xae: {  	[sflag:s5] =	ssyncadd.s32 @p0 $0xFFFFFFFF  }
0xaf: {  	s6 =	sshll.u32 @!p0 s1, $0xE  }
0xb0: {  	s6 =	sor.u32 @!p0 $0x4000, s6;
	s5 =	simm.s32 @!p0 $0x1B8D  }
0xb1: {  	s4 =	sshll.u32 @!p0 s4, $0x11;
	s6 =	sadd.s32 @!p0 $0x11B8D, s6;
	_ =	swait.eq @!p0 [sflag:s5], $0x1  }
0xb2: {  	s4 =	sor.u32 @!p0 s4, s6;
	[sflag:s5] =	ssyncadd.s32 @!p0 $0xFFFFFFFF  }
0xb3: {  	s25 =	simm.s32 $0x1B8E;
	s24 =	sld [smem:$0x3FFE];
	[sflag:s4] =	ssyncadd.remote.s32 @!p0 $0x1  }
0xb4: {  	s26 =	simm.s32 $execute0_lowered;
	[smem:$0x3FD2] =	sst s25  }
0xb5: {  	s5 =	sshll.u32 s26, $0x1;
	_ =	strace $0x8000004C;
	[dreg:$0x1] =	wrdreg $0xFFFFFFFF  }
0xb6: {  	s28 =	simm.s32 $_size_execute0_lowered;
	s3 =	sadd.s32 s3, s5;
	[dreg:$0x0] =	wrdreg $0x0  }
0xb7: {  	s5 =	sshll.u32 s28, $0x1;
	[dreg:$0x2] =	wrdreg s3  }
0xb8: {  	[dreg:$0x3] =	wrdreg s5  }
0xb9: {  	[dreg:$0x4] =	wrdreg $0xC0  }
0xba: {  	_ =	task [dreg:s22], $0x5FFFF  }
0xbb: {  	[dreg:$0x1] =	wrdreg $0xFFFFFFFF  }
0xbc: {  	[dreg:$0x0] =	wrdreg $0x60  }
0xbd: {  	[dreg:$0x2] =	wrdreg s24  }
0xbe: {  	[dreg:$0x3] =	wrdreg $0xA4000  }
0xbf: {  	[dreg:$0x4] =	wrdreg $0xB  }
0xc0: {  	_ =	task.clear_ibuf [dreg:s22], $0x5FFFF;
	_ =	strace $0x9000004C  }
0xc1: {  	s29 =	simm.s32 $0xB;
	_ =	strace $0x8000004E  }
0xc2: {  	_ =	swait.ge [sflag:s29], $0x1  }
0xc3: {  	[sflag:s29] =	ssyncadd.s32 $0xFFFFFFFF  }
0xc4: {  	_ =	strace $0x9000004E  }
0xc5: {  	_ =	sfence  }
0xc6: {  	s30 =	sld [smem:$0x0];
	_ =	sdelay $0x2  }
0xc7: {  	s31 =	sshll.u32 s1, $0xD;
	s1 =	sshrl.u32 s1, $0x2  }
0xc8: {  	s4 =	sand.u32 $0x4000, s31;
	s1 =	sadd.s32 s1, s30  }
0xc9: {  	s0 =	sor.u32 s4, s0;
	s1 =	sshll.u32 s1, $0x11  }
0xca: {  	s0 =	sor.u32 s1, s0  }
0xcb: {  	s0 =	sadd.s32 $0x8F2B, s0  }
0xcc: {  	[sflag:s0] =	ssyncadd.remote.s32 $0x1  }
0xcd: {  	_ =	sfence.sel $0xFFFF  }
0xce: {  	[dreg:$0x0] =	wrdreg $0xFFFFFFFF;
	(pc) =	sbr.abs _section_cstart, $3  }
0xcf: {  	[dreg:$0x1] =	wrdreg $0xFFFFFFFF  }
0xd0: {  	_ =	task.clear_ibuf [dreg:s22], $0x2FFFF;
	_ =	strace $0x9FFFFFFF  }
0xd1: {  	(tm) =	ssettm $0x7FFFFFFF  }
tec
execute0_lowered:
.L_overlay_start_1:
0x0: {  	(tag) =	ssettag $0x1  }
0x1: {  	s3 =	rddreg [dreg:$0x0]  }
0x2: {  	s0 =	srdreg.scid;
	s2 =	rddreg [dreg:$0x1]  }
0x3: {  	s6 =	stileid.u32;
	s29 =	rddreg [dreg:$0x2]  }
0x4: {  	s13 =	simm.s32 $0x50;
	s8 =	simm.s32 $0x400;
	s9 =	simm.s32 $0x2C00  }
0x5: {  	s10 =	simm.s32 $0x5400;
	s11 =	simm.s32 $0x7C00;
	s12 =	simm.s32 $0x1  }
0x6: {  	p1 =	por $0x0, $0x0;
	s17 =	simm.s32 $0x2D0;
	s18 =	simm.s32 $0x320  }
0x7: {  	s19 =	simm.s32 $0x370;
	s0 =	sand.u32 $0x1, s0;
	s1 =	sshll.u32 s6, $0x1  }
0x8: {  	s7 =	sadd.s32 $0x1600, s3;
	p0 =	sne.s32 s6, $0x0;
	s6 =	simm.s32 $0x2  }
0x9: {  	s4 =	sor.u32 s0, s1;
	s1 =	simm.s32 $0x0;
	s0 =	ssub.s32 $0x2, s0  }
0xa: {  	s28 =	sshrl.u32 @!p0 s2, $0x3;
	s5 =	smul.u32 $0x78, s4;
	[smem:$0x7FF] =	sst s1  }
0xb: {  	s4 =	smul.u32 $0x3C00, s4;
	s26 =	sshrl.u32 s0, $0x1;
	_ =	strace $0x8000004D  }
0xc: {  	[dreg:$0x3] =	wrdreg s7;
	s0 =	ssub.s32 s0, s26;
	s26 =	simm.s32 $0xF0  }
0xd: {  	s5 =	sadd.s32 s5, s3;
	s20 =	sadd.s32 s4, s3;
	s0 =	smax.u32 s0, $0x1  }
0xe: {  	s21 =	sadd.s32 $0x41E00, s5;
	s22 =	sadd.s32 $0x42E00, s20;
	s23 =	sadd.s32 $0x43300, s20  }
0xf: {  	s24 =	sadd.s32 $0x43800, s20;
	s16 =	sadd.s32 $0xFFFFFFFF, s0;
	s0 =	rddreg [dreg:$0x3]  }
0x10: {  	s25 =	sadd.s32 $0x43D00, s20;
	s30 =	sadd.s32 $0x44200, s20;
	[dreg:$0x4] =	wrdreg s21  }
0x11: {  	s31 =	sadd.s32 $0x44700, s20;
	s14 =	sadd.s32 $0x44C00, s20;
	[dreg:$0x5] =	wrdreg s22  }
0x12: {  	s15 =	sadd.s32 $0x45100, s20;
	[dreg:$0x6] =	wrdreg s23;
	p2 =	sne.s32 s16, $0x0  }
.Ltmp0:
0x13: {  	s3 =	sadd.s32 $0x45600, s20;
	[dreg:$0x7] =	wrdreg s24;
	(pc) =	sbr.rel @!p2 .LBB2_1-.Ltmp0, $4  }
0x14: {  	s4 =	sadd.s32 $0x45B00, s20;
	s5 =	sadd.s32 $0x46000, s20;
	[dreg:$0x8] =	wrdreg s25  }
0x15: {  	s7 =	sadd.s32 $0x46500, s20;
	s20 =	simm.s32 $0x140;
	[dreg:$0x9] =	wrdreg s30  }
0x16: {  	[dreg:$0xa] =	wrdreg s31;
	s24 =	simm.s32 $0x3;
	s25 =	simm.s32 $0xA0  }
0x17: {  	s21 =	simm.s32 $0x190;
	s22 =	simm.s32 $0x1E0;
	s23 =	simm.s32 $0x230  }
0x18: {  	s29 =	simm.s32 @!p0 $0x1C03;
	s30 =	simm.s32 @!p0 $0x3  }
0x19: {  	[spmem:s28], [sflag:s29] =	dma.local @!p0 [hbm:s0], $0x3E80  }
0x1a: {  	_ =	swait.ge @!p0 [sflag:s30], $0x3E80  }
0x1b: {  	[sflag:s30] =	ssyncset.done @!p0 $0x0  }
0x1c: {  	s0 =	rddreg [dreg:$0x4];
	[sflag:s30] =	ssyncadd.s32 @!p0 $0xFFFFC180  }
0x1d: {  	[tilespmem:s1], [sflag:$0x3] =	stream.linear.gather [hbm4b:s0+s1], $0x3C0, $0x38;
	[tilespmem:$0xC340] =	vst v63  }
0x1e: {  	_ =	swait.ge [sflag:s24], $0x3C0  }
0x1f: {  	[sflag:s24] =	ssyncset.done $0x0  }
0x20: {  	[sflag:s24] =	ssyncadd.s32 $0xFFFFFC40  }
0x21: {  	[bflag:$0x0] =	sbarrier.arrive $0xFFFF  }
0x22: {  	[tilespmem:s8], [sflag:$0x1] =	stream.indirect.gather [spmem:s2], $0x80, s1, s13, $0xb8;
	[tilespmem:$0xC340] =	vst v63  }
0x23: {  	_ = 	snop  }
0x24: {  	[tilespmem:s9], [sflag:$0x1] =	stream.indirect.gather [spmem:s2], $0x80, s13, s13, $0xb8;
	[tilespmem:$0xC340] =	vst v63  }
0x25: {  	_ = 	snop  }
0x26: {  	[tilespmem:s10], [sflag:$0x1] =	stream.indirect.gather [spmem:s2], $0x80, s25, s13, $0xb8;
	[tilespmem:$0xC340] =	vst v63  }
0x27: {  	_ = 	snop  }
0x28: {  	[tilespmem:s11], [sflag:$0x1] =	stream.indirect.gather [spmem:s2], $0x80, s26, s13, $0xb8;
	[tilespmem:$0xC340] =	vst v63  }
0x29: {  	_ =	swait.ge [sflag:s12], $0x2800  }
0x2a: {  	[sflag:s12] =	ssyncset.done $0x0  }
0x2b: {  	[sflag:s12] =	ssyncadd.s32 $0xFFFFD800  }
0x2c: {  	_ =	swait.ge [sflag:s12], $0x2800  }
0x2d: {  	[sflag:s12] =	ssyncset.done $0x0  }
0x2e: {  	[sflag:s12] =	ssyncadd.s32 $0xFFFFD800  }
0x2f: {  	_ =	swait.ge [sflag:s12], $0x2800  }
0x30: {  	[sflag:s12] =	ssyncset.done $0x0  }
0x31: {  	[sflag:s12] =	ssyncadd.s32 $0xFFFFD800  }
0x32: {  	_ =	swait.ge [sflag:s12], $0x2800  }
0x33: {  	[sflag:s12] =	ssyncset.done $0x0  }
0x34: {  	s0 =	rddreg [dreg:$0x5];
	[sflag:s12] =	ssyncadd.s32 $0xFFFFD800  }
0x35: {  	[hbm4b:s0+s1] =	stream.linear.scatter [tilespmem:s8], [sflag:$0x2], $0x2800, $0x38;
	[tilespmem:$0xC340] =	vst v63  }
0x36: {  	s31 =	rddreg [dreg:$0x6]  }
0x37: {  	[hbm4b:s31+s1] =	stream.linear.scatter [tilespmem:s9], [sflag:$0x2], $0x2800, $0x38;
	[tilespmem:$0xC340] =	vst v63  }
0x38: {  	s0 =	rddreg [dreg:$0x7]  }
0x39: {  	[hbm4b:s0+s1] =	stream.linear.scatter [tilespmem:s10], [sflag:$0x2], $0x2800, $0x38;
	[tilespmem:$0xC340] =	vst v63  }
0x3a: {  	s31 =	rddreg [dreg:$0x8]  }
0x3b: {  	[hbm4b:s31+s1] =	stream.linear.scatter [tilespmem:s11], [sflag:$0x2], $0x2800, $0x38;
	[tilespmem:$0xC340] =	vst v63  }
0x3c: {  	_ =	swait.ge [sflag:s6], $0x2800  }
0x3d: {  	[sflag:s6] =	ssyncset.done $0x0  }
0x3e: {  	[sflag:s6] =	ssyncadd.s32 $0xFFFFD800  }
0x3f: {  	_ =	swait.ge [sflag:s6], $0x2800  }
0x40: {  	[sflag:s6] =	ssyncset.done $0x0  }
0x41: {  	[sflag:s6] =	ssyncadd.s32 $0xFFFFD800  }
0x42: {  	_ =	swait.ge [sflag:s6], $0x2800  }
0x43: {  	[sflag:s6] =	ssyncset.done $0x0  }
0x44: {  	[sflag:s6] =	ssyncadd.s32 $0xFFFFD800  }
0x45: {  	_ =	swait.ge [sflag:s6], $0x2800  }
0x46: {  	[sflag:s6] =	ssyncset.done $0x0  }
0x47: {  	[sflag:s6] =	ssyncadd.s32 $0xFFFFD800  }
0x48: {  	[tilespmem:s8], [sflag:$0x1] =	stream.indirect.gather [spmem:s2], $0x80, s20, s13, $0xb8;
	[tilespmem:$0xC340] =	vst v63  }
0x49: {  	_ = 	snop  }
0x4a: {  	[tilespmem:s9], [sflag:$0x1] =	stream.indirect.gather [spmem:s2], $0x80, s21, s13, $0xb8;
	[tilespmem:$0xC340] =	vst v63  }
0x4b: {  	_ = 	snop  }
0x4c: {  	[tilespmem:s10], [sflag:$0x1] =	stream.indirect.gather [spmem:s2], $0x80, s22, s13, $0xb8;
	[tilespmem:$0xC340] =	vst v63  }
0x4d: {  	_ = 	snop  }
0x4e: {  	[tilespmem:s11], [sflag:$0x1] =	stream.indirect.gather [spmem:s2], $0x80, s23, s13, $0xb8;
	[tilespmem:$0xC340] =	vst v63  }
0x4f: {  	_ =	swait.ge [sflag:s12], $0x2800  }
0x50: {  	[sflag:s12] =	ssyncset.done $0x0  }
0x51: {  	[sflag:s12] =	ssyncadd.s32 $0xFFFFD800  }
0x52: {  	_ =	swait.ge [sflag:s12], $0x2800  }
0x53: {  	[sflag:s12] =	ssyncset.done $0x0  }
0x54: {  	[sflag:s12] =	ssyncadd.s32 $0xFFFFD800  }
0x55: {  	_ =	swait.ge [sflag:s12], $0x2800  }
0x56: {  	[sflag:s12] =	ssyncset.done $0x0  }
0x57: {  	[sflag:s12] =	ssyncadd.s32 $0xFFFFD800  }
0x58: {  	_ =	swait.ge [sflag:s12], $0x2800  }
0x59: {  	[sflag:s12] =	ssyncset.done $0x0  }
0x5a: {  	s0 =	rddreg [dreg:$0x9];
	[sflag:s12] =	ssyncadd.s32 $0xFFFFD800  }
0x5b: {  	[hbm4b:s0+s1] =	stream.linear.scatter [tilespmem:s8], [sflag:$0x2], $0x2800, $0x38;
	[tilespmem:$0xC340] =	vst v63  }
0x5c: {  	s31 =	rddreg [dreg:$0xa]  }
0x5d: {  	[hbm4b:s31+s1] =	stream.linear.scatter [tilespmem:s9], [sflag:$0x2], $0x2800, $0x38;
	[tilespmem:$0xC340] =	vst v63  }
0x5e: {  	_ = 	snop  }
0x5f: {  	[hbm4b:s14+s1] =	stream.linear.scatter [tilespmem:s10], [sflag:$0x2], $0x2800, $0x38;
	[tilespmem:$0xC340] =	vst v63  }
0x60: {  	_ = 	snop  }
0x61: {  	[hbm4b:s15+s1] =	stream.linear.scatter [tilespmem:s11], [sflag:$0x2], $0x2800, $0x38;
	[tilespmem:$0xC340] =	vst v63  }
0x62: {  	_ =	swait.ge [sflag:s6], $0x2800  }
0x63: {  	[sflag:s6] =	ssyncset.done $0x0  }
0x64: {  	[sflag:s6] =	ssyncadd.s32 $0xFFFFD800  }
0x65: {  	_ =	swait.ge [sflag:s6], $0x2800  }
0x66: {  	[sflag:s6] =	ssyncset.done $0x0  }
0x67: {  	[sflag:s6] =	ssyncadd.s32 $0xFFFFD800  }
0x68: {  	_ =	swait.ge [sflag:s6], $0x2800  }
0x69: {  	[sflag:s6] =	ssyncset.done $0x0  }
0x6a: {  	[sflag:s6] =	ssyncadd.s32 $0xFFFFD800  }
0x6b: {  	_ =	swait.ge [sflag:s6], $0x2800  }
0x6c: {  	[sflag:s6] =	ssyncset.done $0x0  }
0x6d: {  	s0 =	simm.s32 $0x280;
	[sflag:s6] =	ssyncadd.s32 $0xFFFFD800  }
0x6e: {  	[tilespmem:s8], [sflag:$0x1] =	stream.indirect.gather [spmem:s2], $0x80, s0, s13, $0xb8;
	[tilespmem:$0xC340] =	vst v63  }
0x6f: {  	_ = 	snop  }
0x70: {  	[tilespmem:s9], [sflag:$0x1] =	stream.indirect.gather [spmem:s2], $0x80, s17, s13, $0xb8;
	[tilespmem:$0xC340] =	vst v63  }
0x71: {  	_ = 	snop  }
0x72: {  	[tilespmem:s10], [sflag:$0x1] =	stream.indirect.gather [spmem:s2], $0x80, s18, s13, $0xb8;
	[tilespmem:$0xC340] =	vst v63  }
0x73: {  	_ = 	snop  }
0x74: {  	[tilespmem:s11], [sflag:$0x1] =	stream.indirect.gather [spmem:s2], $0x80, s19, s13, $0xb8;
	[tilespmem:$0xC340] =	vst v63  }
0x75: {  	_ =	swait.ge [sflag:s12], $0x2800  }
0x76: {  	[sflag:s12] =	ssyncset.done $0x0  }
0x77: {  	[sflag:s12] =	ssyncadd.s32 $0xFFFFD800  }
0x78: {  	_ =	swait.ge [sflag:s12], $0x2800  }
0x79: {  	[sflag:s12] =	ssyncset.done $0x0  }
0x7a: {  	[sflag:s12] =	ssyncadd.s32 $0xFFFFD800  }
0x7b: {  	_ =	swait.ge [sflag:s12], $0x2800  }
0x7c: {  	[sflag:s12] =	ssyncset.done $0x0  }
0x7d: {  	[sflag:s12] =	ssyncadd.s32 $0xFFFFD800  }
0x7e: {  	_ =	swait.ge [sflag:s12], $0x2800  }
0x7f: {  	[sflag:s12] =	ssyncset.done $0x0  }
0x80: {  	[sflag:s12] =	ssyncadd.s32 $0xFFFFD800  }
0x81: {  	[hbm4b:s3+s1] =	stream.linear.scatter [tilespmem:s8], [sflag:$0x2], $0x2800, $0x38;
	[tilespmem:$0xC340] =	vst v63  }
0x82: {  	_ = 	snop  }
0x83: {  	[hbm4b:s4+s1] =	stream.linear.scatter [tilespmem:s9], [sflag:$0x2], $0x2800, $0x38;
	[tilespmem:$0xC340] =	vst v63  }
0x84: {  	_ = 	snop  }
0x85: {  	[hbm4b:s5+s1] =	stream.linear.scatter [tilespmem:s10], [sflag:$0x2], $0x2800, $0x38;
	[tilespmem:$0xC340] =	vst v63  }
0x86: {  	_ = 	snop  }
0x87: {  	[hbm4b:s7+s1] =	stream.linear.scatter [tilespmem:s11], [sflag:$0x2], $0x2800, $0x38;
	[tilespmem:$0xC340] =	vst v63  }
0x88: {  	_ =	swait.ge [sflag:s6], $0x2800  }
0x89: {  	[sflag:s6] =	ssyncset.done $0x0  }
0x8a: {  	[sflag:s6] =	ssyncadd.s32 $0xFFFFD800  }
0x8b: {  	_ =	swait.ge [sflag:s6], $0x2800  }
0x8c: {  	s31 =	sadd.s32 $0xFFFFFFFF, s16;
	[sflag:s6] =	ssyncset.done $0x0  }
0x8d: {  	p2 =	sne.s32 s31, $0x0;
	[sflag:s6] =	ssyncadd.s32 $0xFFFFD800  }
.Ltmp1:
0x8e: {  	_ =	swait.ge [sflag:s6], $0x2800;
	(pc) =	sbr.rel @!p2 .LBB2_3-.Ltmp1, $4  }
0x8f: {  	[sflag:s6] =	ssyncset.done $0x0  }
0x90: {  	[sflag:s6] =	ssyncadd.s32 $0xFFFFD800  }
0x91: {  	_ =	swait.ge [sflag:s6], $0x2800  }
0x92: {  	p1 =	por $0x1, $0x1;
	s0 =	rddreg [dreg:$0x3];
	[sflag:s6] =	ssyncset.done $0x0  }
.LBB2_4:
0x93: {  	[sflag:s6] =	ssyncadd.s32 $0xFFFFD800  }
0x94: {  	[spmem:s28], [sflag:s29] =	dma.local @!p0 [hbm:s0], $0x3E80  }
0x95: {  	_ =	swait.ge @!p0 [sflag:s30], $0x3E80  }
0x96: {  	[sflag:s30] =	ssyncset.done @!p0 $0x0  }
0x97: {  	s16 =	rddreg [dreg:$0x4];
	[sflag:s30] =	ssyncadd.s32 @!p0 $0xFFFFC180  }
0x98: {  	[tilespmem:s1], [sflag:$0x3] =	stream.linear.gather [hbm4b:s16+s1], $0x3C0, $0x38;
	[tilespmem:$0xC340] =	vst v63  }
0x99: {  	_ =	swait.ge [sflag:s24], $0x3C0  }
0x9a: {  	[sflag:s24] =	ssyncset.done $0x0  }
0x9b: {  	[sflag:s24] =	ssyncadd.s32 $0xFFFFFC40  }
0x9c: {  	[bflag:$0x0] =	sbarrier.arrive $0xFFFF  }
0x9d: {  	[tilespmem:s8], [sflag:$0x1] =	stream.indirect.gather [spmem:s2], $0x80, s1, s13, $0xb8;
	[tilespmem:$0xC340] =	vst v63  }
0x9e: {  	_ = 	snop  }
0x9f: {  	[tilespmem:s9], [sflag:$0x1] =	stream.indirect.gather [spmem:s2], $0x80, s13, s13, $0xb8;
	[tilespmem:$0xC340] =	vst v63  }
0xa0: {  	_ = 	snop  }
0xa1: {  	[tilespmem:s10], [sflag:$0x1] =	stream.indirect.gather [spmem:s2], $0x80, s25, s13, $0xb8;
	[tilespmem:$0xC340] =	vst v63  }
0xa2: {  	_ = 	snop  }
0xa3: {  	[tilespmem:s11], [sflag:$0x1] =	stream.indirect.gather [spmem:s2], $0x80, s26, s13, $0xb8;
	[tilespmem:$0xC340] =	vst v63  }
0xa4: {  	_ =	swait.ge [sflag:s12], $0x2800  }
0xa5: {  	[sflag:s12] =	ssyncset.done $0x0  }
0xa6: {  	[sflag:s12] =	ssyncadd.s32 $0xFFFFD800  }
0xa7: {  	_ =	swait.ge [sflag:s12], $0x2800  }
0xa8: {  	[sflag:s12] =	ssyncset.done $0x0  }
0xa9: {  	[sflag:s12] =	ssyncadd.s32 $0xFFFFD800  }
0xaa: {  	_ =	swait.ge [sflag:s12], $0x2800  }
0xab: {  	[sflag:s12] =	ssyncset.done $0x0  }
0xac: {  	[sflag:s12] =	ssyncadd.s32 $0xFFFFD800  }
0xad: {  	_ =	swait.ge [sflag:s12], $0x2800  }
0xae: {  	[sflag:s12] =	ssyncset.done $0x0  }
0xaf: {  	s0 =	rddreg [dreg:$0x5];
	[sflag:s12] =	ssyncadd.s32 $0xFFFFD800  }
0xb0: {  	[hbm4b:s0+s1] =	stream.linear.scatter [tilespmem:s8], [sflag:$0x2], $0x2800, $0x38;
	[tilespmem:$0xC340] =	vst v63  }
0xb1: {  	s16 =	rddreg [dreg:$0x6]  }
0xb2: {  	[hbm4b:s16+s1] =	stream.linear.scatter [tilespmem:s9], [sflag:$0x2], $0x2800, $0x38;
	[tilespmem:$0xC340] =	vst v63  }
0xb3: {  	s0 =	rddreg [dreg:$0x7]  }
0xb4: {  	[hbm4b:s0+s1] =	stream.linear.scatter [tilespmem:s10], [sflag:$0x2], $0x2800, $0x38;
	[tilespmem:$0xC340] =	vst v63  }
0xb5: {  	s16 =	rddreg [dreg:$0x8]  }
0xb6: {  	[hbm4b:s16+s1] =	stream.linear.scatter [tilespmem:s11], [sflag:$0x2], $0x2800, $0x38;
	[tilespmem:$0xC340] =	vst v63  }
0xb7: {  	_ =	swait.ge [sflag:s6], $0x2800  }
0xb8: {  	[sflag:s6] =	ssyncset.done $0x0  }
0xb9: {  	[sflag:s6] =	ssyncadd.s32 $0xFFFFD800  }
0xba: {  	_ =	swait.ge [sflag:s6], $0x2800  }
0xbb: {  	[sflag:s6] =	ssyncset.done $0x0  }
0xbc: {  	[sflag:s6] =	ssyncadd.s32 $0xFFFFD800  }
0xbd: {  	_ =	swait.ge [sflag:s6], $0x2800  }
0xbe: {  	[sflag:s6] =	ssyncset.done $0x0  }
0xbf: {  	[sflag:s6] =	ssyncadd.s32 $0xFFFFD800  }
0xc0: {  	_ =	swait.ge [sflag:s6], $0x2800  }
0xc1: {  	[sflag:s6] =	ssyncset.done $0x0  }
0xc2: {  	[sflag:s6] =	ssyncadd.s32 $0xFFFFD800  }
0xc3: {  	[tilespmem:s8], [sflag:$0x1] =	stream.indirect.gather [spmem:s2], $0x80, s20, s13, $0xb8;
	[tilespmem:$0xC340] =	vst v63  }
0xc4: {  	_ = 	snop  }
0xc5: {  	[tilespmem:s9], [sflag:$0x1] =	stream.indirect.gather [spmem:s2], $0x80, s21, s13, $0xb8;
	[tilespmem:$0xC340] =	vst v63  }
0xc6: {  	_ = 	snop  }
0xc7: {  	[tilespmem:s10], [sflag:$0x1] =	stream.indirect.gather [spmem:s2], $0x80, s22, s13, $0xb8;
	[tilespmem:$0xC340] =	vst v63  }
0xc8: {  	_ = 	snop  }
0xc9: {  	[tilespmem:s11], [sflag:$0x1] =	stream.indirect.gather [spmem:s2], $0x80, s23, s13, $0xb8;
	[tilespmem:$0xC340] =	vst v63  }
0xca: {  	_ =	swait.ge [sflag:s12], $0x2800  }
0xcb: {  	[sflag:s12] =	ssyncset.done $0x0  }
0xcc: {  	[sflag:s12] =	ssyncadd.s32 $0xFFFFD800  }
0xcd: {  	_ =	swait.ge [sflag:s12], $0x2800  }
0xce: {  	[sflag:s12] =	ssyncset.done $0x0  }
0xcf: {  	[sflag:s12] =	ssyncadd.s32 $0xFFFFD800  }
0xd0: {  	_ =	swait.ge [sflag:s12], $0x2800  }
0xd1: {  	[sflag:s12] =	ssyncset.done $0x0  }
0xd2: {  	[sflag:s12] =	ssyncadd.s32 $0xFFFFD800  }
0xd3: {  	_ =	swait.ge [sflag:s12], $0x2800  }
0xd4: {  	[sflag:s12] =	ssyncset.done $0x0  }
0xd5: {  	s0 =	rddreg [dreg:$0x9];
	[sflag:s12] =	ssyncadd.s32 $0xFFFFD800  }
0xd6: {  	[hbm4b:s0+s1] =	stream.linear.scatter [tilespmem:s8], [sflag:$0x2], $0x2800, $0x38;
	[tilespmem:$0xC340] =	vst v63  }
0xd7: {  	s16 =	rddreg [dreg:$0xa]  }
0xd8: {  	[hbm4b:s16+s1] =	stream.linear.scatter [tilespmem:s9], [sflag:$0x2], $0x2800, $0x38;
	[tilespmem:$0xC340] =	vst v63  }
0xd9: {  	_ = 	snop  }
0xda: {  	[hbm4b:s14+s1] =	stream.linear.scatter [tilespmem:s10], [sflag:$0x2], $0x2800, $0x38;
	[tilespmem:$0xC340] =	vst v63  }
0xdb: {  	_ = 	snop  }
0xdc: {  	[hbm4b:s15+s1] =	stream.linear.scatter [tilespmem:s11], [sflag:$0x2], $0x2800, $0x38;
	[tilespmem:$0xC340] =	vst v63  }
0xdd: {  	_ =	swait.ge [sflag:s6], $0x2800  }
0xde: {  	[sflag:s6] =	ssyncset.done $0x0  }
0xdf: {  	[sflag:s6] =	ssyncadd.s32 $0xFFFFD800  }
0xe0: {  	_ =	swait.ge [sflag:s6], $0x2800  }
0xe1: {  	[sflag:s6] =	ssyncset.done $0x0  }
0xe2: {  	[sflag:s6] =	ssyncadd.s32 $0xFFFFD800  }
0xe3: {  	_ =	swait.ge [sflag:s6], $0x2800  }
0xe4: {  	[sflag:s6] =	ssyncset.done $0x0  }
0xe5: {  	[sflag:s6] =	ssyncadd.s32 $0xFFFFD800  }
0xe6: {  	_ =	swait.ge [sflag:s6], $0x2800  }
0xe7: {  	[sflag:s6] =	ssyncset.done $0x0  }
0xe8: {  	s16 =	simm.s32 $0x280;
	[sflag:s6] =	ssyncadd.s32 $0xFFFFD800  }
0xe9: {  	[tilespmem:s8], [sflag:$0x1] =	stream.indirect.gather [spmem:s2], $0x80, s16, s13, $0xb8;
	[tilespmem:$0xC340] =	vst v63  }
0xea: {  	_ = 	snop  }
0xeb: {  	[tilespmem:s9], [sflag:$0x1] =	stream.indirect.gather [spmem:s2], $0x80, s17, s13, $0xb8;
	[tilespmem:$0xC340] =	vst v63  }
0xec: {  	_ = 	snop  }
0xed: {  	[tilespmem:s10], [sflag:$0x1] =	stream.indirect.gather [spmem:s2], $0x80, s18, s13, $0xb8;
	[tilespmem:$0xC340] =	vst v63  }
0xee: {  	_ = 	snop  }
0xef: {  	[tilespmem:s11], [sflag:$0x1] =	stream.indirect.gather [spmem:s2], $0x80, s19, s13, $0xb8;
	[tilespmem:$0xC340] =	vst v63  }
0xf0: {  	_ =	swait.ge [sflag:s12], $0x2800  }
0xf1: {  	[sflag:s12] =	ssyncset.done $0x0  }
0xf2: {  	[sflag:s12] =	ssyncadd.s32 $0xFFFFD800  }
0xf3: {  	_ =	swait.ge [sflag:s12], $0x2800  }
0xf4: {  	[sflag:s12] =	ssyncset.done $0x0  }
0xf5: {  	[sflag:s12] =	ssyncadd.s32 $0xFFFFD800  }
0xf6: {  	_ =	swait.ge [sflag:s12], $0x2800  }
0xf7: {  	[sflag:s12] =	ssyncset.done $0x0  }
0xf8: {  	[sflag:s12] =	ssyncadd.s32 $0xFFFFD800  }
0xf9: {  	_ =	swait.ge [sflag:s12], $0x2800  }
0xfa: {  	[sflag:s12] =	ssyncset.done $0x0  }
0xfb: {  	[sflag:s12] =	ssyncadd.s32 $0xFFFFD800  }
0xfc: {  	[hbm4b:s3+s1] =	stream.linear.scatter [tilespmem:s8], [sflag:$0x2], $0x2800, $0x38;
	[tilespmem:$0xC340] =	vst v63  }
0xfd: {  	_ = 	snop  }
0xfe: {  	[hbm4b:s4+s1] =	stream.linear.scatter [tilespmem:s9], [sflag:$0x2], $0x2800, $0x38;
	[tilespmem:$0xC340] =	vst v63  }
0xff: {  	_ = 	snop  }
0x100: {  	[hbm4b:s5+s1] =	stream.linear.scatter [tilespmem:s10], [sflag:$0x2], $0x2800, $0x38;
	[tilespmem:$0xC340] =	vst v63  }
0x101: {  	_ = 	snop  }
0x102: {  	[hbm4b:s7+s1] =	stream.linear.scatter [tilespmem:s11], [sflag:$0x2], $0x2800, $0x38;
	[tilespmem:$0xC340] =	vst v63  }
0x103: {  	_ =	swait.ge [sflag:s6], $0x2800  }
0x104: {  	[sflag:s6] =	ssyncset.done $0x0  }
0x105: {  	[sflag:s6] =	ssyncadd.s32 $0xFFFFD800  }
0x106: {  	_ =	swait.ge [sflag:s6], $0x2800  }
0x107: {  	s31 =	sadd.s32 $0xFFFFFFFF, s31;
	[sflag:s6] =	ssyncset.done $0x0  }
0x108: {  	p2 =	sne.s32 s31, $0x0;
	[sflag:s6] =	ssyncadd.s32 $0xFFFFD800  }
.Ltmp2:
0x109: {  	_ =	swait.ge [sflag:s6], $0x2800;
	(pc) =	sbr.rel @p2 .LBB2_4-.Ltmp2, $4  }
0x10a: {  	[sflag:s6] =	ssyncset.done $0x0  }
0x10b: {  	[sflag:s6] =	ssyncadd.s32 $0xFFFFD800  }
0x10c: {  	_ =	swait.ge [sflag:s6], $0x2800  }
0x10d: {  	s0 =	rddreg [dreg:$0x3];
	[sflag:s6] =	ssyncset.done $0x0  }
0x10e: {  	s30 =	simm.s32 $0x280;
	s29 =	rddreg [dreg:$0x2]  }
.LBB2_6:
0x10f: {  	[sflag:s6] =	ssyncadd.s32 @p1 $0xFFFFD800;
	s16 =	simm.s32 @!p0 $0x1C03  }
0x110: {  	[spmem:s28], [sflag:s16] =	dma.local @!p0 [hbm:s0], $0x3E80  }
0x111: {  	s0 =	simm.s32 @!p0 $0x3  }
0x112: {  	_ =	swait.ge @!p0 [sflag:s0], $0x3E80  }
0x113: {  	[sflag:s0] =	ssyncset.done @!p0 $0x0  }
0x114: {  	s31 =	rddreg [dreg:$0x4];
	[sflag:s0] =	ssyncadd.s32 @!p0 $0xFFFFC180  }
0x115: {  	[tilespmem:s1], [sflag:$0x3] =	stream.linear.gather [hbm4b:s31+s1], $0x3C0, $0x38;
	[tilespmem:$0xC340] =	vst v63  }
0x116: {  	_ =	swait.ge [sflag:s24], $0x3C0  }
0x117: {  	[sflag:s24] =	ssyncset.done $0x0  }
0x118: {  	[sflag:s24] =	ssyncadd.s32 $0xFFFFFC40  }
0x119: {  	[bflag:$0x0] =	sbarrier.arrive $0xFFFF  }
0x11a: {  	[tilespmem:s8], [sflag:$0x1] =	stream.indirect.gather [spmem:s2], $0x80, s1, s13, $0xb8;
	[tilespmem:$0xC340] =	vst v63  }
0x11b: {  	_ = 	snop  }
0x11c: {  	[tilespmem:s9], [sflag:$0x1] =	stream.indirect.gather [spmem:s2], $0x80, s13, s13, $0xb8;
	[tilespmem:$0xC340] =	vst v63  }
0x11d: {  	_ = 	snop  }
0x11e: {  	[tilespmem:s10], [sflag:$0x1] =	stream.indirect.gather [spmem:s2], $0x80, s25, s13, $0xb8;
	[tilespmem:$0xC340] =	vst v63  }
0x11f: {  	_ = 	snop  }
0x120: {  	[tilespmem:s11], [sflag:$0x1] =	stream.indirect.gather [spmem:s2], $0x80, s26, s13, $0xb8;
	[tilespmem:$0xC340] =	vst v63  }
0x121: {  	_ =	swait.ge [sflag:s12], $0x2800  }
0x122: {  	[sflag:s12] =	ssyncset.done $0x0  }
0x123: {  	[sflag:s12] =	ssyncadd.s32 $0xFFFFD800  }
0x124: {  	_ =	swait.ge [sflag:s12], $0x2800  }
0x125: {  	[sflag:s12] =	ssyncset.done $0x0  }
0x126: {  	[sflag:s12] =	ssyncadd.s32 $0xFFFFD800  }
0x127: {  	_ =	swait.ge [sflag:s12], $0x2800  }
0x128: {  	[sflag:s12] =	ssyncset.done $0x0  }
0x129: {  	[sflag:s12] =	ssyncadd.s32 $0xFFFFD800  }
0x12a: {  	_ =	swait.ge [sflag:s12], $0x2800  }
0x12b: {  	[sflag:s12] =	ssyncset.done $0x0  }
0x12c: {  	s16 =	rddreg [dreg:$0x5];
	[sflag:s12] =	ssyncadd.s32 $0xFFFFD800  }
0x12d: {  	[hbm4b:s16+s1] =	stream.linear.scatter [tilespmem:s8], [sflag:$0x2], $0x2800, $0x38;
	[tilespmem:$0xC340] =	vst v63  }
0x12e: {  	s24 =	rddreg [dreg:$0x6]  }
0x12f: {  	[hbm4b:s24+s1] =	stream.linear.scatter [tilespmem:s9], [sflag:$0x2], $0x2800, $0x38;
	[tilespmem:$0xC340] =	vst v63  }
0x130: {  	s25 =	rddreg [dreg:$0x7]  }
0x131: {  	[hbm4b:s25+s1] =	stream.linear.scatter [tilespmem:s10], [sflag:$0x2], $0x2800, $0x38;
	[tilespmem:$0xC340] =	vst v63  }
0x132: {  	s26 =	rddreg [dreg:$0x8]  }
0x133: {  	[hbm4b:s26+s1] =	stream.linear.scatter [tilespmem:s11], [sflag:$0x2], $0x2800, $0x38;
	[tilespmem:$0xC340] =	vst v63  }
0x134: {  	_ =	swait.ge [sflag:s6], $0x2800  }
0x135: {  	[sflag:s6] =	ssyncset.done $0x0  }
0x136: {  	[sflag:s6] =	ssyncadd.s32 $0xFFFFD800  }
0x137: {  	_ =	swait.ge [sflag:s6], $0x2800  }
0x138: {  	[sflag:s6] =	ssyncset.done $0x0  }
0x139: {  	[sflag:s6] =	ssyncadd.s32 $0xFFFFD800  }
0x13a: {  	_ =	swait.ge [sflag:s6], $0x2800  }
0x13b: {  	[sflag:s6] =	ssyncset.done $0x0  }
0x13c: {  	[sflag:s6] =	ssyncadd.s32 $0xFFFFD800  }
0x13d: {  	_ =	swait.ge [sflag:s6], $0x2800  }
0x13e: {  	[sflag:s6] =	ssyncset.done $0x0  }
0x13f: {  	[sflag:s6] =	ssyncadd.s32 $0xFFFFD800  }
0x140: {  	[tilespmem:s8], [sflag:$0x1] =	stream.indirect.gather [spmem:s2], $0x80, s20, s13, $0xb8;
	[tilespmem:$0xC340] =	vst v63  }
0x141: {  	_ = 	snop  }
0x142: {  	[tilespmem:s9], [sflag:$0x1] =	stream.indirect.gather [spmem:s2], $0x80, s21, s13, $0xb8;
	[tilespmem:$0xC340] =	vst v63  }
0x143: {  	_ = 	snop  }
0x144: {  	[tilespmem:s10], [sflag:$0x1] =	stream.indirect.gather [spmem:s2], $0x80, s22, s13, $0xb8;
	[tilespmem:$0xC340] =	vst v63  }
0x145: {  	_ = 	snop  }
0x146: {  	[tilespmem:s11], [sflag:$0x1] =	stream.indirect.gather [spmem:s2], $0x80, s23, s13, $0xb8;
	[tilespmem:$0xC340] =	vst v63  }
0x147: {  	_ =	swait.ge [sflag:s12], $0x2800  }
0x148: {  	[sflag:s12] =	ssyncset.done $0x0  }
0x149: {  	[sflag:s12] =	ssyncadd.s32 $0xFFFFD800  }
0x14a: {  	_ =	swait.ge [sflag:s12], $0x2800  }
0x14b: {  	[sflag:s12] =	ssyncset.done $0x0  }
0x14c: {  	[sflag:s12] =	ssyncadd.s32 $0xFFFFD800  }
0x14d: {  	_ =	swait.ge [sflag:s12], $0x2800  }
0x14e: {  	[sflag:s12] =	ssyncset.done $0x0  }
0x14f: {  	[sflag:s12] =	ssyncadd.s32 $0xFFFFD800  }
0x150: {  	_ =	swait.ge [sflag:s12], $0x2800  }
0x151: {  	[sflag:s12] =	ssyncset.done $0x0  }
0x152: {  	s28 =	rddreg [dreg:$0x9];
	[sflag:s12] =	ssyncadd.s32 $0xFFFFD800  }
0x153: {  	[hbm4b:s28+s1] =	stream.linear.scatter [tilespmem:s8], [sflag:$0x2], $0x2800, $0x38;
	[tilespmem:$0xC340] =	vst v63  }
0x154: {  	s31 =	rddreg [dreg:$0xa]  }
0x155: {  	[hbm4b:s31+s1] =	stream.linear.scatter [tilespmem:s9], [sflag:$0x2], $0x2800, $0x38;
	[tilespmem:$0xC340] =	vst v63  }
0x156: {  	_ = 	snop  }
0x157: {  	[hbm4b:s14+s1] =	stream.linear.scatter [tilespmem:s10], [sflag:$0x2], $0x2800, $0x38;
	[tilespmem:$0xC340] =	vst v63  }
0x158: {  	_ = 	snop  }
0x159: {  	[hbm4b:s15+s1] =	stream.linear.scatter [tilespmem:s11], [sflag:$0x2], $0x2800, $0x38;
	[tilespmem:$0xC340] =	vst v63  }
0x15a: {  	_ =	swait.ge [sflag:s6], $0x2800  }
0x15b: {  	[sflag:s6] =	ssyncset.done $0x0  }
0x15c: {  	[sflag:s6] =	ssyncadd.s32 $0xFFFFD800  }
0x15d: {  	_ =	swait.ge [sflag:s6], $0x2800  }
0x15e: {  	[sflag:s6] =	ssyncset.done $0x0  }
0x15f: {  	[sflag:s6] =	ssyncadd.s32 $0xFFFFD800  }
0x160: {  	_ =	swait.ge [sflag:s6], $0x2800  }
0x161: {  	[sflag:s6] =	ssyncset.done $0x0  }
0x162: {  	[sflag:s6] =	ssyncadd.s32 $0xFFFFD800  }
0x163: {  	_ =	swait.ge [sflag:s6], $0x2800  }
0x164: {  	[sflag:s6] =	ssyncset.done $0x0  }
0x165: {  	[sflag:s6] =	ssyncadd.s32 $0xFFFFD800  }
0x166: {  	[tilespmem:s8], [sflag:$0x1] =	stream.indirect.gather [spmem:s2], $0x80, s30, s13, $0xb8;
	[tilespmem:$0xC340] =	vst v63  }
0x167: {  	_ = 	snop  }
0x168: {  	[tilespmem:s9], [sflag:$0x1] =	stream.indirect.gather [spmem:s2], $0x80, s17, s13, $0xb8;
	[tilespmem:$0xC340] =	vst v63  }
0x169: {  	_ = 	snop  }
0x16a: {  	[tilespmem:s10], [sflag:$0x1] =	stream.indirect.gather [spmem:s2], $0x80, s18, s13, $0xb8;
	[tilespmem:$0xC340] =	vst v63  }
0x16b: {  	_ = 	snop  }
0x16c: {  	[tilespmem:s11], [sflag:$0x1] =	stream.indirect.gather [spmem:s2], $0x80, s19, s13, $0xb8;
	[tilespmem:$0xC340] =	vst v63  }
0x16d: {  	_ =	swait.ge [sflag:s12], $0x2800  }
0x16e: {  	[sflag:s12] =	ssyncset.done $0x0  }
0x16f: {  	[sflag:s12] =	ssyncadd.s32 $0xFFFFD800  }
0x170: {  	_ =	swait.ge [sflag:s12], $0x2800  }
0x171: {  	[sflag:s12] =	ssyncset.done $0x0  }
0x172: {  	[sflag:s12] =	ssyncadd.s32 $0xFFFFD800  }
0x173: {  	_ =	swait.ge [sflag:s12], $0x2800  }
0x174: {  	[sflag:s12] =	ssyncset.done $0x0  }
0x175: {  	[sflag:s12] =	ssyncadd.s32 $0xFFFFD800  }
0x176: {  	_ =	swait.ge [sflag:s12], $0x2800  }
0x177: {  	[sflag:s12] =	ssyncset.done $0x0  }
0x178: {  	[sflag:s12] =	ssyncadd.s32 $0xFFFFD800  }
0x179: {  	[hbm4b:s3+s1] =	stream.linear.scatter [tilespmem:s8], [sflag:$0x2], $0x2800, $0x38;
	[tilespmem:$0xC340] =	vst v63  }
0x17a: {  	_ = 	snop  }
0x17b: {  	[hbm4b:s4+s1] =	stream.linear.scatter [tilespmem:s9], [sflag:$0x2], $0x2800, $0x38;
	[tilespmem:$0xC340] =	vst v63  }
0x17c: {  	_ = 	snop  }
0x17d: {  	[hbm4b:s5+s1] =	stream.linear.scatter [tilespmem:s10], [sflag:$0x2], $0x2800, $0x38;
	[tilespmem:$0xC340] =	vst v63  }
0x17e: {  	_ = 	snop  }
0x17f: {  	[hbm4b:s7+s1] =	stream.linear.scatter [tilespmem:s11], [sflag:$0x2], $0x2800, $0x38;
	[tilespmem:$0xC340] =	vst v63  }
0x180: {  	_ =	swait.ge [sflag:s6], $0x2800  }
0x181: {  	[sflag:s6] =	ssyncset.done $0x0  }
0x182: {  	[sflag:s6] =	ssyncadd.s32 $0xFFFFD800  }
0x183: {  	_ =	swait.ge [sflag:s6], $0x2800  }
0x184: {  	[sflag:s6] =	ssyncset.done $0x0  }
0x185: {  	[sflag:s6] =	ssyncadd.s32 $0xFFFFD800  }
0x186: {  	_ =	swait.ge [sflag:s6], $0x2800  }
0x187: {  	[sflag:s6] =	ssyncset.done $0x0  }
0x188: {  	[sflag:s6] =	ssyncadd.s32 $0xFFFFD800  }
0x189: {  	_ =	swait.ge [sflag:s6], $0x2800  }
0x18a: {  	[sflag:s6] =	ssyncset.done $0x0  }
0x18b: {  	[sflag:s6] =	ssyncadd.s32 $0xFFFFD800  }
0x18c: {  	_ =	sfence.sel $0x180000  }
0x18d: {  	[bflag:$0x0] =	sbarrier.arrive $0xFFFF  }
0x18e: {  	_ =	strace $0x9000004D  }
0x18f: {  	s0 =	sadd.s32 @!p0 $0x100000, s29;
	[bflag:$0x2] =	sbarrier.arrive $0xFFFF  }
0x190: {  	[sflag:s0] =	ssyncadd.tile.s32 @!p0 $0x1;
	_ =	shalt  }
.LBB2_1:
.Ltmp3:
0x191: {  	(pc) =	sbr.rel .LBB2_6-.Ltmp3, $2  }
0x192: {  	_ =	sdelay $0x2  }
0x193: {  	s30 =	simm.s32 $0x280  }
.LBB2_3:
.Ltmp4:
0x194: {  	(pc) =	sbr.rel .LBB2_6-.Ltmp4, $2  }
0x195: {  	_ =	sdelay $0x2  }
0x196: {  	s30 =	simm.s32 $0x280;
	s29 =	rddreg [dreg:$0x2]  }
.Lfunc_end2:
_tile_overlayer_lowered:
.L_overlay_start_2:
0x197: {  	(tag) =	ssettag $0x2  }
0x198: {  	s0 =	rddreg [dreg:$0x0];
	s2 =	stileid.u32  }
0x199: {  	s1 =	rddreg [dreg:$0x1];
	p0 =	sne.s32 s2, $0x0  }
0x19a: {  	s3 =	rddreg [dreg:$0x2];
	[bflag:$0x3] =	sbarrier.arrive $0xFFFF;
	s2 =	simm.s32 @!p0 $0x1C03  }
0x19b: {  	[timem:s3], [sflag:s2] =	dma.local @!p0 [hbm:s0], s1  }
0x19c: {  	s0 =	simm.s32 @!p0 $0x3  }
0x19d: {  	_ =	swait.ge @!p0 [sflag:s0], s1  }
0x19e: {  	s1 =	ssub.s32 @!p0 $0x0, s1;
	[sflag:s0] =	ssyncset.done @!p0 $0x0  }
0x19f: {  	[sflag:s0] =	ssyncadd.s32 @!p0 s1  }
0x1a0: {  	[bflag:$0x3] =	sbarrier.arrive $0xFFFF  }
0x1a1: {  	_ =	shalt  }

// kernel: kernel.8.cloned.1.call-start
scs
__scs_entry_jumppad:
0x0: {  	(pc) =	sbr.rel $0x88, $3  }
0x1: {  	(tag) =	ssettag $0x0;
	lr =	simm.s32 $0x1  }
0x2: {  	[smem:$0x3F9D] =	sst lr;
	_ =	strace $0xD0000000  }
0x3: {  	_ = 	snop  }
0x4: {  	_ = 	snop  }
0x5: {  	_ = 	snop  }
0x6: {  	_ = 	snop  }
0x7: {  	_ = 	snop  }
__scs_overlays_trampoline_lowered:
0x8: {  	[smem:$0x3FAC] =	sst s0  }
0x9: {  	[smem:$0x3FAD] =	sst s1  }
0xa: {  	[smem:$0x3FAE] =	sst s2  }
0xb: {  	[smem:$0x3FAF] =	sst s3  }
0xc: {  	[smem:$0x3FB0] =	sst s4  }
0xd: {  	[smem:$0x3FB1] =	sst s5  }
0xe: {  	[smem:$0x3FB2] =	sst s6  }
0xf: {  	[smem:$0x3FB3] =	sst s7  }
0x10: {  	[smem:$0x3FB4] =	sst s8  }
0x11: {  	[smem:$0x3FB5] =	sst s9;
	s0 =	simm.s32 @!p0 $0x0  }
0x12: {  	s1 =	sld [smem:$0x3F9B];
	s0 =	simm.s32 @p0 $0x1  }
0x13: {  	[smem:$0x3FB6] =	sst s0;
	s0 =	simm.s32 @!p1 $0x0  }
0x14: {  	s2 =	sld [smem:$0x3F9A];
	s0 =	simm.s32 @p1 $0x1  }
0x15: {  	[smem:$0x3FB7] =	sst s0;
	s0 =	simm.s32 @!p2 $0x0  }
0x16: {  	s3 =	sld [smem:$0x3FDB];
	s0 =	simm.s32 @p2 $0x1  }
0x17: {  	s4 =	simm.s32 $0x1BF5;
	[smem:$0x3FB9] =	sst s0  }
0x18: {  	s0 =	sld [smem:$0x3F9C];
	_ =	swait.ge [sflag:s4], $0x0  }
0x19: {  	s7 =	sld [smem:$0x3F9D]  }
0x1a: {  	s8 =	sadd.s32 $0xFFFFE003, lr  }
0x1b: {  	s9 =	sadd.s32 $0xFFFFFEF7, lr;
	s5 =	simm.s32 $0xFFFFFFFF;
	p2 =	slt.u32 s8, $0xFFFFF086  }
0x1c: {  	p1 =	slt.u32 s9, $0xF7A;
	s5 =	simm.s32 @!p2 $0x0  }
0x1d: {  	s5 =	simm.s32 @p1 $0x1;
	p0 =	seq.s32 s7, s2  }
0x1e: {  	s7 =	smul.u32 @!p0 $0xF7A, s2;
	p2 =	seq.s32 @!p0 s5, $0x0  }
0x1f: {  	s9 =	smul.u32 $0xF7A, s1;
	s8 =	simm.s32 @!p0 $0x1BF5;
	p2 =	por !p2, p0  }
0x20: {  	[sflag:s8] =	ssyncset.s32 @!p0 $0xFFFFF086;
	s6 =	sadd.s32 @!p0 s3, s7;
	s7 =	simm.s32 @!p0 $0x108  }
0x21: {  	s3 =	sadd.s32 s3, s9;
	s6 =	sadd.s32 @!p0 $0x88, s6;
	s7 =	simm.s32 @p2 $0x1082  }
0x22: {  	[simem:s7], [sflag:s8] =	dma.local @!p0 [hbm:s6], $0xF7A  }
0x23: {  	s9 =	sor.u32 $0xD0000000, s2;
	s6 =	simm.s32 $0x108;
	_ =	swait.ge @!p0 [sflag:s8], $0x0  }
0x24: {  	s3 =	sadd.s32 $0x88, s3;
	s6 =	simm.s32 @!p1 $0x1082;
	[sflag:s4] =	ssyncset.s32 $0xFFFFF086  }
0x25: {  	[simem:s6], [sflag:s4] =	dma.local [hbm:s3], $0xF7A  }
0x26: {  	[smem:$0x3F9D] =	sst s1;
	(tag) =	ssettag s2;
	_ =	strace s9  }
0x27: {  	s1 =	sld [smem:$0x3FAD]  }
0x28: {  	s2 =	sld [smem:$0x3FAE]  }
0x29: {  	s4 =	sld [smem:$0x3FB0]  }
0x2a: {  	p0 =	seq.s32 s5, $0x0;
	s5 =	sld [smem:$0x3FB1]  }
0x2b: {  	s6 =	sld [smem:$0x3FB2]  }
0x2c: {  	s7 =	sld [smem:$0x3FB3]  }
0x2d: {  	s3 =	simm.s32 $0x108;
	s8 =	sld [smem:$0x3FB4]  }
0x2e: {  	s3 =	simm.s32 @!p0 $0x1082;
	s9 =	sld [smem:$0x3FB5]  }
0x2f: {  	lr =	sadd.s32 s0, s3;
	s0 =	sld [smem:$0x3FAC]  }
0x30: {  	s3 =	sld [smem:$0x3FAF]  }
0x31: {  	[smem:$0x3FB8] =	sst s10  }
0x32: {  	s10 =	sld [smem:$0x3FB6];
	_ =	sdelay $0x3  }
0x33: {  	p0 =	seq.s32 s10, $0x1;
	s10 =	sld [smem:$0x3FB8];
	_ =	sdelay $0x3  }
0x34: {  	[smem:$0x3FB8] =	sst s10  }
0x35: {  	s10 =	sld [smem:$0x3FB7];
	_ =	sdelay $0x3  }
0x36: {  	p1 =	seq.s32 s10, $0x1;
	s10 =	sld [smem:$0x3FB8];
	_ =	sdelay $0x3  }
0x37: {  	[smem:$0x3FB8] =	sst s10  }
0x38: {  	s10 =	sld [smem:$0x3FB9]  }
0x39: {  	_ = 	snop;
	(pc) =	sbr.ind lr, $3  }
0x3a: {  	_ = 	snop  }
0x3b: {  	_ = 	snop  }
0x3c: {  	p2 =	seq.s32 s10, $0x1;
	s10 =	sld [smem:$0x3FB8]  }
0x3d: {  	_ =	shalt  }
0x3e: {  	_ =	shalt  }
0x3f: {  	_ =	shalt  }
0x40: {  	_ =	shalt  }
0x41: {  	_ =	shalt  }
0x42: {  	_ =	shalt  }
0x43: {  	_ =	shalt  }
0x44: {  	_ =	shalt  }
0x45: {  	_ =	shalt  }
0x46: {  	_ =	shalt  }
0x47: {  	_ =	shalt  }
0x48: {  	_ =	shalt  }
0x49: {  	_ =	shalt  }
0x4a: {  	_ =	shalt  }
0x4b: {  	_ =	shalt  }
0x4c: {  	_ =	shalt  }
0x4d: {  	_ =	shalt  }
0x4e: {  	_ =	shalt  }
0x4f: {  	_ =	shalt  }
0x50: {  	_ =	shalt  }
0x51: {  	_ =	shalt  }
0x52: {  	_ =	shalt  }
0x53: {  	_ =	shalt  }
0x54: {  	_ =	shalt  }
0x55: {  	_ =	shalt  }
0x56: {  	_ =	shalt  }
0x57: {  	_ =	shalt  }
0x58: {  	_ =	shalt  }
0x59: {  	_ =	shalt  }
0x5a: {  	_ =	shalt  }
0x5b: {  	_ =	shalt  }
0x5c: {  	_ =	shalt  }
0x5d: {  	_ =	shalt  }
0x5e: {  	_ =	shalt  }
0x5f: {  	_ =	shalt  }
0x60: {  	_ =	shalt  }
0x61: {  	_ =	shalt  }
0x62: {  	_ =	shalt  }
0x63: {  	_ =	shalt  }
0x64: {  	_ =	shalt  }
0x65: {  	_ =	shalt  }
0x66: {  	_ =	shalt  }
0x67: {  	_ =	shalt  }
0x68: {  	_ =	shalt  }
0x69: {  	_ =	shalt  }
0x6a: {  	_ =	shalt  }
0x6b: {  	_ =	shalt  }
0x6c: {  	_ =	shalt  }
0x6d: {  	_ =	shalt  }
0x6e: {  	_ =	shalt  }
0x6f: {  	_ =	shalt  }
0x70: {  	_ =	shalt  }
0x71: {  	_ =	shalt  }
0x72: {  	_ =	shalt  }
0x73: {  	_ =	shalt  }
0x74: {  	_ =	shalt  }
0x75: {  	_ =	shalt  }
0x76: {  	_ =	shalt  }
0x77: {  	_ =	shalt  }
0x78: {  	_ =	shalt  }
0x79: {  	_ =	shalt  }
0x7a: {  	_ =	shalt  }
0x7b: {  	_ =	shalt  }
0x7c: {  	_ =	shalt  }
0x7d: {  	_ =	shalt  }
0x7e: {  	_ =	shalt  }
0x7f: {  	_ =	shalt  }
0x80: {  	_ =	shalt  }
0x81: {  	_ =	shalt  }
0x82: {  	_ =	shalt  }
0x83: {  	_ =	shalt  }
0x84: {  	_ =	shalt  }
0x85: {  	_ =	shalt  }
0x86: {  	_ =	shalt  }
0x87: {  	_ =	shalt  }
.Lfunc_end0:
.L_simem_size_0:
called_computation_lowered:
.L_overlay_start_0:
0x88: {  	s2 =	sld [smem:$0x3FD9]  }
0x89: {  	s3 =	sld [smem:$0x3FFE];
	_ =	sdelay $0x1  }
0x8a: {  	s1 =	srdreg.scid  }
0x8b: {  	s0 =	sand.u32 $0x1, s1  }
0x8c: {  	s17 =	sshll.u32 s0, $0xA;
	s2 =	sadd.s32 s3, s2  }
0x8d: {  	s2 =	sadd.s32 s2, s17  }
0x8e: {  	[smem:$0x3FC4] =	sst s2  }
0x8f: {  	_ = 	snop  }
0x90: {  	s2 =	sld [smem:$0x3FD0];
	(tm) =	ssettm $0x1  }
0x91: {  	s18 =	sld [smem:$0x3FFB];
	_ =	sdelay $0x3  }
0x92: {  	_ =	strace s18  }
0x93: {  	s3 =	sld [smem:$0x3FFC];
	_ =	sdelay $0x3  }
0x94: {  	_ =	strace s3  }
0x95: {  	s3 =	sld [smem:$0x3FFD];
	_ =	sdelay $0x3  }
0x96: {  	_ =	strace s3  }
0x97: {  	_ =	strace $0x8FFFFFFF  }
0x98: {  	s19 =	sld [smem:$0x3FDB];
	_ =	sdelay $0x1  }
0x99: {  	s4 =	simm.s32 $_scs_section_size  }
0x9a: {  	s5 =	simm.s32 $_size__tile_overlayer_lowered;
	s6 =	simm.s32 $_tile_overlayer_lowered  }
0x9b: {  	s22 =	simm.s32 $0x1BFF;
	s21 =	sshll.u32 s6, $0x1;
	s3 =	sadd.s32 s4, s19  }
0x9c: {  	s7 =	simm.s32 $0x0;
	s20 =	sshll.u32 s5, $0x1;
	s5 =	sadd.s32 s21, s3  }
0x9d: {  	[timem:s7], [sflag:s22] =	dma.local [hbm:s5], s20  }
0x9e: {  	_ =	swait.ge [sflag:s22], s20  }
0x9f: {  	s4 =	ssub.s32 $0x0, s20;
	[sflag:s22] =	ssyncset.done $0x0  }
0xa0: {  	[sflag:s22] =	ssyncadd.s32 s4;
	_ =	sdelay $0x1  }
0xa1: {  	s23 =	simm.s32 $0x1B8B  }
0xa2: {  	_ =	swait.ge [sflag:s23], $0x1  }
0xa3: {  	[sflag:s23] =	ssyncset.done $0x0  }
0xa4: {  	s25 =	simm.s32 $0x1B8E;
	s24 =	sld [smem:$0x3FFE];
	[sflag:s23] =	ssyncadd.s32 $0xFFFFFFFF  }
0xa5: {  	s26 =	simm.s32 $execute0_lowered;
	[smem:$0x3FD2] =	sst s25  }
0xa6: {  	s5 =	sshll.u32 s26, $0x1;
	_ =	strace $0x80000046;
	[dreg:$0x1] =	wrdreg $0xFFFFFFFF  }
0xa7: {  	s28 =	simm.s32 $_size_execute0_lowered;
	s3 =	sadd.s32 s3, s5;
	[dreg:$0x0] =	wrdreg $0x0  }
0xa8: {  	s5 =	sshll.u32 s28, $0x1;
	[dreg:$0x2] =	wrdreg s3  }
0xa9: {  	[dreg:$0x3] =	wrdreg s5  }
0xaa: {  	[dreg:$0x4] =	wrdreg $0xC0  }
0xab: {  	_ =	task [dreg:s7], $0x5FFFF  }
0xac: {  	[dreg:$0x1] =	wrdreg $0xFFFFFFFF  }
0xad: {  	[dreg:$0x0] =	wrdreg $0x60  }
0xae: {  	[dreg:$0x2] =	wrdreg s24  }
0xaf: {  	[dreg:$0x3] =	wrdreg s2  }
0xb0: {  	[dreg:$0x4] =	wrdreg $0x51000  }
0xb1: {  	[dreg:$0x5] =	wrdreg $0x9  }
0xb2: {  	_ =	task.clear_ibuf [dreg:s7], $0x6FFFF;
	_ =	strace $0x90000046  }
0xb3: {  	s29 =	simm.s32 $0x9;
	_ =	strace $0x80000048  }
0xb4: {  	_ =	swait.ge [sflag:s29], $0x1  }
0xb5: {  	[sflag:s29] =	ssyncadd.s32 $0xFFFFFFFF  }
0xb6: {  	_ =	strace $0x90000048  }
0xb7: {  	_ =	sfence  }
0xb8: {  	s30 =	sld [smem:$0x0];
	_ =	sdelay $0x2  }
0xb9: {  	s31 =	sshll.u32 s1, $0xD;
	s1 =	sshrl.u32 s1, $0x2  }
0xba: {  	s3 =	sand.u32 $0x4000, s31;
	s1 =	sadd.s32 s1, s30  }
0xbb: {  	s0 =	sor.u32 s3, s0;
	s1 =	sshll.u32 s1, $0x11  }
0xbc: {  	s0 =	sor.u32 s1, s0  }
0xbd: {  	s0 =	sadd.s32 $0x8F2B, s0  }
0xbe: {  	[sflag:s0] =	ssyncadd.remote.s32 $0x1  }
0xbf: {  	_ =	sfence.sel $0xFFFF  }
0xc0: {  	[dreg:$0x0] =	wrdreg $0xFFFFFFFF;
	(pc) =	sbr.abs _section_cstart, $3  }
0xc1: {  	[dreg:$0x1] =	wrdreg $0xFFFFFFFF  }
0xc2: {  	_ =	task.clear_ibuf [dreg:s7], $0x2FFFF;
	_ =	strace $0x9FFFFFFF  }
0xc3: {  	(tm) =	ssettm $0x7FFFFFFF  }
tec
execute0_lowered:
.L_overlay_start_1:
0x0: {  	(tag) =	ssettag $0x1  }
0x1: {  	s3 =	rddreg [dreg:$0x0]  }
0x2: {  	s5 =	srdreg.scid;
	s7 =	stileid.u32  }
0x3: {  	s4 =	rddreg [dreg:$0x1];
	s5 =	sand.u32 $0x1, s5;
	s6 =	sshll.u32 s7, $0x1  }
0x4: {  	s2 =	rddreg [dreg:$0x2];
	s8 =	sor.u32 s5, s6;
	s5 =	ssub.s32 $0x2, s5  }
0x5: {  	s0 =	rddreg [dreg:$0x3];
	s31 =	sshrl.u32 s5, $0x1  }
0x6: {  	s1 =	simm.s32 $0x0;
	s12 =	simm.s32 $0x3;
	s5 =	ssub.s32 s5, s31  }
0x7: {  	s11 =	simm.s32 $0x50;
	p1 =	por $0x0, $0x0;
	s5 =	smax.u32 s5, $0x1  }
0x8: {  	[smem:$0x7FF] =	sst s1;
	s9 =	smul.u32 $0x14, s8;
	s16 =	sadd.s32 $0xFFFFFFFF, s5  }
0x9: {  	p0 =	sne.s32 s7, $0x0;
	s10 =	smul.u32 $0x5000, s8;
	p2 =	sne.s32 s16, $0x0  }
.Ltmp0:
0xa: {  	s7 =	simm.s32 $0x100;
	_ =	strace $0x80000047;
	(pc) =	sbr.rel @!p2 .LBB2_3-.Ltmp0, $4  }
0xb: {  	s6 =	sadd.s32 $0x1600, s3;
	s8 =	smul.u32 $0xA00, s8;
	s3 =	sadd.s32 s9, s3  }
0xc: {  	s13 =	sshrl.u32 @!p0 s2, $0x3;
	s10 =	sshrl.u32 s10, $0x3;
	s9 =	sadd.s32 $0x1200, s3  }
0xd: {  	s3 =	sadd.s32 s4, s8;
	s4 =	sadd.s32 s4, s10;
	s8 =	simm.s32 $0x2900  }
0xe: {  	s10 =	simm.s32 $0x1;
	s5 =	simm.s32 $0x2;
	s4 =	sadd.s32 $0x500, s4  }
0xf: {  	s14 =	simm.s32 @!p0 $0x1C03;
	s15 =	simm.s32 @!p0 $0x3  }
0x10: {  	[spmem:s13], [sflag:s14] =	dma.local @!p0 [hbm:s6], $0x3E80  }
0x11: {  	_ =	swait.ge @!p0 [sflag:s15], $0x3E80  }
0x12: {  	[sflag:s15] =	ssyncset.done @!p0 $0x0  }
0x13: {  	[sflag:s15] =	ssyncadd.s32 @!p0 $0xFFFFC180  }
0x14: {  	[tilespmem:s1], [sflag:$0x3] =	stream.linear.gather [hbm4b:s9+s1], $0xA0, $0x38;
	[tilespmem:$0x7040] =	vst v63  }
0x15: {  	_ =	swait.ge [sflag:s12], $0xA0  }
0x16: {  	[sflag:s12] =	ssyncset.done $0x0  }
0x17: {  	[sflag:s12] =	ssyncadd.s32 $0xFFFFFF60  }
0x18: {  	[bflag:$0x0] =	sbarrier.arrive $0xFFFF  }
0x19: {  	[tilespmem:s7], [sflag:$0x1] =	stream.indirect.gather [spmem:s2], $0x80, s1, s11, $0xb8;
	[tilespmem:$0x7040] =	vst v63  }
0x1a: {  	_ = 	snop  }
0x1b: {  	[tilespmem:s8], [sflag:$0x1] =	stream.indirect.gather [spmem:s2], $0x80, s11, s11, $0xb8;
	[tilespmem:$0x7040] =	vst v63  }
0x1c: {  	_ =	swait.ge [sflag:s10], $0x2800  }
0x1d: {  	[sflag:s10] =	ssyncset.done $0x0  }
0x1e: {  	[sflag:s10] =	ssyncadd.s32 $0xFFFFD800  }
0x1f: {  	_ =	swait.ge [sflag:s10], $0x2800  }
0x20: {  	[sflag:s10] =	ssyncset.done $0x0  }
0x21: {  	s16 =	sadd.s32 $0xFFFFFFFF, s16;
	[sflag:s10] =	ssyncadd.s32 $0xFFFFD800  }
0x22: {  	[hbm4b:s3+s1] =	stream.linear.scatter [tilespmem:s7], [sflag:$0x2], $0x2800, $0x38;
	[tilespmem:$0x7040] =	vst v63  }
0x23: {  	p2 =	sne.s32 s16, $0x0  }
0x24: {  	[hbm4b:s4+s1] =	stream.linear.scatter [tilespmem:s8], [sflag:$0x2], $0x2800, $0x38;
	[tilespmem:$0x7040] =	vst v63  }
.Ltmp1:
0x25: {  	_ =	swait.ge [sflag:s5], $0x2800;
	(pc) =	sbr.rel @!p2 .LBB2_3-.Ltmp1, $4  }
0x26: {  	[sflag:s5] =	ssyncset.done $0x0  }
0x27: {  	[sflag:s5] =	ssyncadd.s32 $0xFFFFD800  }
0x28: {  	_ =	swait.ge [sflag:s5], $0x2800  }
0x29: {  	p1 =	por $0x1, $0x1;
	[sflag:s5] =	ssyncset.done $0x0  }
.LBB2_2:
0x2a: {  	[sflag:s5] =	ssyncadd.s32 $0xFFFFD800  }
0x2b: {  	[spmem:s13], [sflag:s14] =	dma.local @!p0 [hbm:s6], $0x3E80  }
0x2c: {  	s16 =	sadd.s32 $0xFFFFFFFF, s16;
	_ =	swait.ge @!p0 [sflag:s15], $0x3E80  }
0x2d: {  	p2 =	sne.s32 s16, $0x0;
	[sflag:s15] =	ssyncset.done @!p0 $0x0  }
0x2e: {  	[sflag:s15] =	ssyncadd.s32 @!p0 $0xFFFFC180  }
0x2f: {  	[tilespmem:s1], [sflag:$0x3] =	stream.linear.gather [hbm4b:s9+s1], $0xA0, $0x38;
	[tilespmem:$0x7040] =	vst v63  }
0x30: {  	_ =	swait.ge [sflag:s12], $0xA0  }
0x31: {  	[sflag:s12] =	ssyncset.done $0x0  }
0x32: {  	[sflag:s12] =	ssyncadd.s32 $0xFFFFFF60  }
0x33: {  	[bflag:$0x0] =	sbarrier.arrive $0xFFFF  }
0x34: {  	[tilespmem:s7], [sflag:$0x1] =	stream.indirect.gather [spmem:s2], $0x80, s1, s11, $0xb8;
	[tilespmem:$0x7040] =	vst v63  }
0x35: {  	_ = 	snop  }
0x36: {  	[tilespmem:s8], [sflag:$0x1] =	stream.indirect.gather [spmem:s2], $0x80, s11, s11, $0xb8;
	[tilespmem:$0x7040] =	vst v63  }
0x37: {  	_ =	swait.ge [sflag:s10], $0x2800  }
0x38: {  	[sflag:s10] =	ssyncset.done $0x0  }
0x39: {  	[sflag:s10] =	ssyncadd.s32 $0xFFFFD800  }
0x3a: {  	_ =	swait.ge [sflag:s10], $0x2800  }
0x3b: {  	[sflag:s10] =	ssyncset.done $0x0  }
0x3c: {  	[sflag:s10] =	ssyncadd.s32 $0xFFFFD800  }
0x3d: {  	[hbm4b:s3+s1] =	stream.linear.scatter [tilespmem:s7], [sflag:$0x2], $0x2800, $0x38;
	[tilespmem:$0x7040] =	vst v63  }
0x3e: {  	_ = 	snop  }
0x3f: {  	[hbm4b:s4+s1] =	stream.linear.scatter [tilespmem:s8], [sflag:$0x2], $0x2800, $0x38;
	[tilespmem:$0x7040] =	vst v63  }
.Ltmp2:
0x40: {  	_ =	swait.ge [sflag:s5], $0x2800;
	(pc) =	sbr.rel @p2 .LBB2_2-.Ltmp2, $4  }
0x41: {  	[sflag:s5] =	ssyncset.done $0x0  }
0x42: {  	[sflag:s5] =	ssyncadd.s32 $0xFFFFD800  }
0x43: {  	_ =	swait.ge [sflag:s5], $0x2800  }
0x44: {  	[sflag:s5] =	ssyncset.done $0x0  }
.LBB2_3:
0x45: {  	s14 =	simm.s32 @!p0 $0x1C03;
	s15 =	simm.s32 @!p0 $0x3;
	[sflag:s5] =	ssyncadd.s32 @p1 $0xFFFFD800  }
0x46: {  	[spmem:s13], [sflag:s14] =	dma.local @!p0 [hbm:s6], $0x3E80  }
0x47: {  	_ =	swait.ge @!p0 [sflag:s15], $0x3E80  }
0x48: {  	[sflag:s15] =	ssyncset.done @!p0 $0x0  }
0x49: {  	[sflag:s15] =	ssyncadd.s32 @!p0 $0xFFFFC180  }
0x4a: {  	[tilespmem:s1], [sflag:$0x3] =	stream.linear.gather [hbm4b:s9+s1], $0xA0, $0x38;
	[tilespmem:$0x7040] =	vst v63  }
0x4b: {  	_ =	swait.ge [sflag:s12], $0xA0  }
0x4c: {  	[sflag:s12] =	ssyncset.done $0x0  }
0x4d: {  	[sflag:s12] =	ssyncadd.s32 $0xFFFFFF60  }
0x4e: {  	[bflag:$0x0] =	sbarrier.arrive $0xFFFF  }
0x4f: {  	[tilespmem:s7], [sflag:$0x1] =	stream.indirect.gather [spmem:s2], $0x80, s1, s11, $0xb8;
	[tilespmem:$0x7040] =	vst v63  }
0x50: {  	_ = 	snop  }
0x51: {  	[tilespmem:s8], [sflag:$0x1] =	stream.indirect.gather [spmem:s2], $0x80, s11, s11, $0xb8;
	[tilespmem:$0x7040] =	vst v63  }
0x52: {  	_ =	swait.ge [sflag:s10], $0x2800  }
0x53: {  	[sflag:s10] =	ssyncset.done $0x0  }
0x54: {  	[sflag:s10] =	ssyncadd.s32 $0xFFFFD800  }
0x55: {  	_ =	swait.ge [sflag:s10], $0x2800  }
0x56: {  	[sflag:s10] =	ssyncset.done $0x0  }
0x57: {  	[sflag:s10] =	ssyncadd.s32 $0xFFFFD800  }
0x58: {  	[hbm4b:s3+s1] =	stream.linear.scatter [tilespmem:s7], [sflag:$0x2], $0x2800, $0x38;
	[tilespmem:$0x7040] =	vst v63  }
0x59: {  	_ = 	snop  }
0x5a: {  	[hbm4b:s4+s1] =	stream.linear.scatter [tilespmem:s8], [sflag:$0x2], $0x2800, $0x38;
	[tilespmem:$0x7040] =	vst v63  }
0x5b: {  	_ =	swait.ge [sflag:s5], $0x2800  }
0x5c: {  	[sflag:s5] =	ssyncset.done $0x0  }
0x5d: {  	[sflag:s5] =	ssyncadd.s32 $0xFFFFD800  }
0x5e: {  	_ =	swait.ge [sflag:s5], $0x2800  }
0x5f: {  	[sflag:s5] =	ssyncset.done $0x0  }
0x60: {  	[sflag:s5] =	ssyncadd.s32 $0xFFFFD800  }
0x61: {  	_ =	sfence.sel $0x180000  }
0x62: {  	[bflag:$0x0] =	sbarrier.arrive $0xFFFF  }
0x63: {  	_ =	strace $0x90000047  }
0x64: {  	s0 =	sadd.s32 @!p0 $0x100000, s0;
	[bflag:$0x2] =	sbarrier.arrive $0xFFFF  }
0x65: {  	[sflag:s0] =	ssyncadd.tile.s32 @!p0 $0x1;
	_ =	shalt  }
.Lfunc_end2:
_tile_overlayer_lowered:
.L_overlay_start_2:
0x66: {  	(tag) =	ssettag $0x2  }
0x67: {  	s0 =	rddreg [dreg:$0x0];
	s2 =	stileid.u32  }
0x68: {  	s1 =	rddreg [dreg:$0x1];
	p0 =	sne.s32 s2, $0x0  }
0x69: {  	s3 =	rddreg [dreg:$0x2];
	[bflag:$0x3] =	sbarrier.arrive $0xFFFF;
	s2 =	simm.s32 @!p0 $0x1C03  }
0x6a: {  	[timem:s3], [sflag:s2] =	dma.local @!p0 [hbm:s0], s1  }
0x6b: {  	s0 =	simm.s32 @!p0 $0x3  }
0x6c: {  	_ =	swait.ge @!p0 [sflag:s0], s1  }
0x6d: {  	s1 =	ssub.s32 @!p0 $0x0, s1;
	[sflag:s0] =	ssyncset.done @!p0 $0x0  }
0x6e: {  	[sflag:s0] =	ssyncadd.s32 @!p0 s1  }
0x6f: {  	[bflag:$0x3] =	sbarrier.arrive $0xFFFF  }
0x70: {  	_ =	shalt  }

</sc_bundles>
